<compile_context>
chip_gen: v7x
topology: tpu7x:2x2x1
jax: 0.10.2.dev20260603
libtpu: 0.0.44.dev20260713+nightly
codegen_flags: <defaults>
</compile_context>

<pallas_src>
import functools

import jax
import jax.numpy as jnp
import numpy as np
from jax import lax
from jax.experimental import pallas as pl
from jax.experimental.pallas import tpu as pltpu
from jax.experimental.pallas import tpu_sc as plsc

CUTOFF = 5.0
MAX_ANGULAR = 3
N_PER_L = [6, 5, 4, 3]
M_PER_L = [1, 3, 5, 7]
N_PSEUDO = 4
N_NODES = 10000
N_EDGES = 160000

NC = 128
E_B = 2048
E_PAD = 163840
CHUNK = 128
SUB_PAD = 10240
N_ROWS = N_NODES + 16
ZROWS = 624


def _build_selectors():
    n_a = sum(M_PER_L)
    n_r = sum(N_PER_L)
    PA = np.zeros((n_a, 2 * NC), np.float32)
    PR = np.zeros((n_r, 2 * NC), np.float32)
    PS = np.zeros((N_PSEUDO, 2 * NC), np.float32)
    c = 0
    off_m = 0
    off_n = 0
    for l in range(MAX_ANGULAR + 1):
        for m in range(M_PER_L[l]):
            for n in range(N_PER_L[l]):
                for p in range(N_PSEUDO):
                    PA[off_m + m, c] = 1.0
                    PR[off_n + n, c] = 1.0
                    PS[p, c] = 1.0
                    c += 1
        off_m += M_PER_L[l]
        off_n += N_PER_L[l]
    assert c == 248
    return PA, PR, PS


_PA, _PR, _PS = _build_selectors()


def _tc_features(x_ref, y_ref, z_ref, zsp_ref, w_ref, pa_ref, pr_ref, ps_ref,
                 f_ref):
    x = x_ref[0:1, :]
    y = y_ref[0:1, :]
    z = z_ref[0:1, :]
    r2 = x * x + y * y + z * z
    d = jnp.sqrt(jnp.clip(r2, 1e-12))
    rn = jnp.sqrt(r2 + 1e-12)
    inv = 1.0 / rn
    xn = x * inv
    yn = y * inv
    zn = z * inv

    c1 = 0.4886025119029199
    zz2 = zn * zn
    sh = [
        0.28209479177387814 * jnp.ones_like(xn),
        c1 * yn, c1 * zn, c1 * xn,
        1.0925484305920792 * xn * yn,
        1.0925484305920792 * yn * zn,
        0.31539156525252005 * (3.0 * zz2 - 1.0),
        1.0925484305920792 * xn * zn,
        0.5462742152960396 * (xn * xn - yn * yn),
        0.5900435899266435 * yn * (3.0 * xn * xn - yn * yn),
        2.890611442640554 * xn * yn * zn,
        0.4570457994644658 * yn * (5.0 * zz2 - 1.0),
        0.3731763325901154 * zn * (5.0 * zz2 - 3.0),
        0.4570457994644658 * xn * (5.0 * zz2 - 1.0),
        1.445305721320277 * zn * (xn * xn - yn * yn),
        0.5900435899266435 * xn * (xn * xn - 3.0 * yn * yn),
    ]
    A = jnp.concatenate(sh, axis=0)

    dC = d * (1.0 / CUTOFF)
    pows = [jnp.ones_like(dC), dC, dC * dC, dC * dC * dC]
    rad = []
    for l in range(MAX_ANGULAR + 1):
        for n in range(N_PER_L[l]):
            zc = (n + 1 + 0.5 * l) * np.pi / CUTOFF
            zv = zc * d
            rad.append(pows[l] * jnp.sin(zv) / (zv + 1e-8))
    R = jnp.concatenate(rad, axis=0)

    zi = zsp_ref[0:1, :]
    oh = [jnp.where(zi == s, 1.0, 0.0).astype(jnp.float32) for s in range(8)]
    OH = jnp.concatenate(oh, axis=0)

    dn = (((0,), (0,)), ((), ()))
    Ab = A.astype(jnp.bfloat16)
    Rb = R.astype(jnp.bfloat16)
    Ob = OH.astype(jnp.bfloat16)
    Ag = lax.dot_general(Ab, pa_ref[...], dn,
                         preferred_element_type=jnp.float32)
    Rg = lax.dot_general(Rb, pr_ref[...], dn,
                         preferred_element_type=jnp.float32)
    ps8 = lax.dot_general(w_ref[...], ps_ref[...], (((1,), (0,)), ((), ())),
                          precision=jax.lax.Precision.HIGHEST,
                          preferred_element_type=jnp.float32)
    Sg = lax.dot_general(Ob, ps8.astype(jnp.bfloat16), dn,
                         preferred_element_type=jnp.float32)
    f_ref[...] = (Ag * Rg) * Sg


def _compute_features(xp, yp, zp, zsp, W_species):
    grid = (E_PAD // E_B,)
    row_spec = pl.BlockSpec((1, E_B), lambda b: (0, b))
    full = lambda shape: pl.BlockSpec(shape, lambda b: (0, 0))
    return pl.pallas_call(
        _tc_features,
        grid=grid,
        in_specs=[
            row_spec, row_spec, row_spec, row_spec,
            full((8, N_PSEUDO)),
            full(_PA.shape), full(_PR.shape), full(_PS.shape),
        ],
        out_specs=pl.BlockSpec((E_B, 2 * NC), lambda b: (b, 0)),
        out_shape=jax.ShapeDtypeStruct((E_PAD, 2 * NC), jnp.float32),
    )(xp, yp, zp, zsp, W_species,
      jnp.asarray(_PA, jnp.bfloat16), jnp.asarray(_PR, jnp.bfloat16),
      jnp.asarray(_PS))


def _sc_scatter(F, idx):
    mesh = plsc.VectorSubcoreMesh(core_axis_name="c", subcore_axis_name="s")
    per_sub = N_EDGES // 16
    n_chunks = SUB_PAD // CHUNK

    @functools.partial(
        pl.kernel,
        mesh=mesh,
        out_type=jax.ShapeDtypeStruct((N_NODES, 2 * NC), jnp.float32),
        scratch_types=[
            pltpu.VMEM((CHUNK, NC), jnp.float32),
            pltpu.VMEM((CHUNK, NC), jnp.float32),
            pltpu.VMEM((n_chunks, CHUNK), jnp.int32),
            pltpu.VMEM_SHARED((N_ROWS, NC), jnp.float32),
            pltpu.SemaphoreType.DMA,
            pltpu.SemaphoreType.DMA,
        ],
    )
    def body(f_hbm, i3_hbm, zero_hbm, out_hbm, buf0, buf1, idx_all,
             acc, sem0, sem1):
        cid = lax.axis_index("c")
        sid = lax.axis_index("s")
        col0 = cid * NC

        pltpu.sync_copy(zero_hbm, buf0)
        zbase = sid * ZROWS
        for k in range(ZROWS // CHUNK):
            pltpu.sync_copy(buf0, acc.at[pl.ds(zbase + k * CHUNK, CHUNK), :])
        rem = ZROWS - (ZROWS // CHUNK) * CHUNK
        pltpu.sync_copy(buf0.at[pl.ds(0, rem), :],
                        acc.at[pl.ds(zbase + (ZROWS // CHUNK) * CHUNK, rem), :])

        @pl.when(sid == 15)
        def _zero_tail():
            pltpu.sync_copy(buf0.at[pl.ds(0, N_ROWS - 16 * ZROWS), :],
                            acc.at[pl.ds(16 * ZROWS, N_ROWS - 16 * ZROWS), :])

        plsc.subcore_barrier()

        ebase = sid * per_sub
        pltpu.sync_copy(i3_hbm.at[sid], idx_all)

        def gather(k, buf, sem):
            e0 = ebase + k * CHUNK
            pltpu.async_copy(f_hbm.at[pl.ds(e0, CHUNK), pl.ds(col0, NC)],
                             buf, sem)

        def gwait(buf, sem):
            pltpu.make_async_copy(
                f_hbm.at[pl.ds(0, CHUNK), pl.ds(0, NC)], buf, sem).wait()

        def scatter(k, buf):
            pltpu.sync_copy(buf, acc.at[idx_all.at[k]], add=True)

        gather(0, buf0, sem0)
        gather(1, buf1, sem1)

        def pair(j, carry):
            k0 = 2 * j
            gwait(buf0, sem0)
            scatter(k0, buf0)

            @pl.when(k0 + 2 < n_chunks)
            def _g0():
                gather(k0 + 2, buf0, sem0)

            gwait(buf1, sem1)
            scatter(k0 + 1, buf1)

            @pl.when(k0 + 3 < n_chunks)
            def _g1():
                gather(k0 + 3, buf1, sem1)

            return carry

        lax.fori_loop(0, n_chunks // 2, pair, 0)
        plsc.subcore_barrier()

        pltpu.sync_copy(acc.at[pl.ds(sid * ZROWS, ZROWS), :],
                        out_hbm.at[pl.ds(sid * ZROWS, ZROWS),
                                   pl.ds(col0, NC)])

        @pl.when(sid == 15)
        def _drain_tail():
            pltpu.sync_copy(acc.at[pl.ds(16 * ZROWS, N_NODES - 16 * ZROWS), :],
                            out_hbm.at[pl.ds(16 * ZROWS,
                                             N_NODES - 16 * ZROWS),
                                       pl.ds(col0, NC)])

    zero_block = jnp.zeros((CHUNK, NC), jnp.float32)
    i3 = jnp.concatenate(
        [idx.reshape(16, per_sub),
         jnp.full((16, SUB_PAD - per_sub), N_NODES, jnp.int32)],
        axis=1).reshape(16, n_chunks, CHUNK)
    return body(F, i3, zero_block)


def kernel(R_ij, i, Z_j, W_species):
    pad = E_PAD - N_EDGES
    xp = jnp.pad(R_ij[:, 0], (0, pad)).reshape(1, E_PAD)
    yp = jnp.pad(R_ij[:, 1], (0, pad)).reshape(1, E_PAD)
    zp = jnp.pad(R_ij[:, 2], (0, pad)).reshape(1, E_PAD)
    zsp = jnp.pad(Z_j.astype(jnp.int32), (0, pad)).reshape(1, E_PAD)

    F = _compute_features(xp, yp, zp, zsp, W_species)
    nodes = _sc_scatter(F, i.astype(jnp.int32))

    outs = []
    off = 0
    for l in range(MAX_ANGULAR + 1):
        m, n = M_PER_L[l], N_PER_L[l]
        sz = m * n * N_PSEUDO
        blk = nodes[:, off:off + sz]
        full = jnp.pad(blk, ((0, N_EDGES - N_NODES), (0, 0)))
        outs.append(full.reshape(N_EDGES, m, n, N_PSEUDO))
        off += sz
    return tuple(outs)

# --- scband reference (transcript-rebuilt; emitter-appended) ---
"""Pipeline reference for scband-spherical-expansion-21784074125332 (READ-ONLY COPY).

The authoritative reference and input builder live on the scoring server;
editing this copy changes nothing except your own understanding.
"""

import jax, jax.numpy as jnp
import numpy as np

CUTOFF = 5.0
MAX_RADIAL = 6
MAX_ANGULAR = 3
N_PER_L = [6, 5, 4, 3]   # radial functions per angular channel l (Laplacian-eigenstate-like, decreasing with l)
M_PER_L = [1, 3, 5, 7]   # 2l+1
N_PSEUDO = 4             # Alchemical pseudo_species
N_SPECIES = 8            # size of the real species alphabet
N_EDGES = 160000
N_NODES = 10000


def _radial_basis(r2):
    # r_ij in the original forward is the SQUARED norm of R_ij (no sqrt taken), faithful to the code.
    d = jnp.sqrt(jnp.clip(r2, 1e-12))
    feats = []
    for l in range(MAX_ANGULAR + 1):
        for n in range(N_PER_L[l]):
            z = (n + 1 + 0.5 * l) * jnp.pi * d / CUTOFF
            feats.append(((d / CUTOFF) ** l) * jnp.sin(z) / (z + 1e-8))
    return jnp.stack(feats, axis=-1)  # [E, sum(N_PER_L)]


def _spherical_harmonics(R):
    r = jnp.sqrt(jnp.sum(R ** 2, axis=-1) + 1e-12)
    x = R[:, 0] / r
    y = R[:, 1] / r
    z = R[:, 2] / r
    sh = []
    # l=0
    sh.append(0.28209479177387814 * jnp.ones_like(x))
    # l=1
    c1 = 0.4886025119029199
    sh += [c1 * y, c1 * z, c1 * x]
    # l=2
    sh += [1.0925484305920792 * x * y,
           1.0925484305920792 * y * z,
           0.31539156525252005 * (3.0 * z * z - 1.0),
           1.0925484305920792 * x * z,
           0.5462742152960396 * (x * x - y * y)]
    # l=3
    sh += [0.5900435899266435 * y * (3.0 * x * x - y * y),
           2.890611442640554 * x * y * z,
           0.4570457994644658 * y * (5.0 * z * z - 1.0),
           0.3731763325901154 * z * (5.0 * z * z - 3.0),
           0.4570457994644658 * x * (5.0 * z * z - 1.0),
           1.445305721320277 * z * (x * x - y * y),
           0.5900435899266435 * x * (x * x - 3.0 * y * y)]
    return jnp.stack(sh, axis=-1)  # [E, sum(M_PER_L)] = [E, 16]


def setup_inputs(seed: int = 0) -> dict:
    key = jax.random.key(seed)
    k1, k2, k3, k4 = jax.random.split(key, 4)
    R_ij = jax.random.normal(k1, (N_EDGES, 3), dtype=jnp.float32)
    i = jax.random.randint(k2, (N_EDGES,), 0, N_NODES, dtype=jnp.int64 if jax.config.jax_enable_x64 else jnp.int32)
    Z_j = jax.random.randint(k3, (N_EDGES,), 0, N_SPECIES, dtype=jnp.int64 if jax.config.jax_enable_x64 else jnp.int32)
    # Alchemical species embedding: learned [n_species, n_pseudo] coupling matrix
    W_species = jax.random.normal(k4, (N_SPECIES, N_PSEUDO), dtype=jnp.float32)
    return {"R_ij": R_ij, "i": i, "Z_j": Z_j, "W_species": W_species}


def reference(R_ij, i, Z_j, W_species):
    # r_ij = (R_ij ** 2).sum(dim=-1)  (squared distance, faithful to original forward)
    r2 = jnp.sum(R_ij ** 2, axis=-1)
    radial = _radial_basis(r2)            # [E, 18]
    angular = _spherical_harmonics(R_ij)  # [E, 16]
    species = jnp.take(W_species, Z_j, axis=0)  # [E, 4] alchemical embedding (gather)
    outs = []
    off_r = 0
    off_m = 0
    for l in range(MAX_ANGULAR + 1):
        nr = N_PER_L[l]
        nm = M_PER_L[l]
        r_l = radial[:, off_r:off_r + nr]   # [E, n_l]
        a_l = angular[:, off_m:off_m + nm]  # [E, m_l]
        # radial_and_angular: s.unsqueeze(-1) * r.unsqueeze(-2) -> [E, m_l, n_l]
        ra = a_l[:, :, None] * r_l[:, None, :]
        # full_expansion_ij: ra.unsqueeze(-1) * c.unsqueeze(-2) -> [E, m_l, n_l, p]
        e = ra[:, :, :, None] * species[:, None, None, :]
        # torch.zeros_like(e).scatter_add_(0, i, e): scatter-add along axis 0 into an E-row buffer
        out = jnp.zeros_like(e).at[i].add(e)
        outs.append(out)
        off_r += nr
        off_m += nm
    return tuple(outs)

if __name__ == "__main__":
    import jax
    _d = setup_inputs()
    print(jax.jit(kernel)(*tuple(_d.values())))

</pallas_src>

<mosaic_0001>
#map = affine_map<(d0, d1) -> (0, 0)>
#map1 = affine_map<(d0, d1) -> (0, 0, 0)>
module attributes {stable_mosaic.version = 14 : i64} {
  func.func @body(%arg0: i32, %arg1: i32, %arg2: memref<163840x256xf32, #tpu.memory_space<hbm>>, %arg3: memref<16x80x128xi32, #tpu.memory_space<hbm>>, %arg4: memref<128x128xf32, #tpu.memory_space<hbm>>, %arg5: memref<10000x256xf32, #tpu.memory_space<hbm>>, %arg6: memref<128x128xf32, #tpu.memory_space<vmem>>, %arg7: memref<128x128xf32, #tpu.memory_space<vmem>>, %arg8: memref<80x128xi32, #tpu.memory_space<vmem>>, %arg9: memref<10016x128xf32, #tpu.memory_space<vmem_shared>>, %arg10: memref<!tpu.dma_semaphore, #tpu.memory_space<semaphore_mem>>, %arg11: memref<!tpu.dma_semaphore, #tpu.memory_space<semaphore_mem>>) attributes {dimension_semantics = [#tpu.dimension_semantics<core_parallel>, #tpu.dimension_semantics<subcore_parallel>], iteration_bounds = array<i64: 2, 16>, scalar_prefetch = 0 : i64, scratch_operands = 6 : i64, tpu.core_type = #tpu.core_type<sc_vector_subcore>, window_params = [{transform_indices = #map}, {transform_indices = #map1}, {transform_indices = #map}, {transform_indices = #map}]} {
    %mul3A = arith.constant 128 : i32
    %mul3A_0 = arith.muli %arg0, %mul3A : i32
    "tpu.region"() ({
      %run_scoped3A = tpu.sem_alloc : memref<!tpu.dma_semaphore, #tpu.memory_space<semaphore_mem>>
      tpu.enqueue_dma source(%arg4 : memref<128x128xf32, #tpu.memory_space<hbm>>) target(%arg6 : memref<128x128xf32, #tpu.memory_space<vmem>>) target_semaphore(%run_scoped3A : memref<!tpu.dma_semaphore, #tpu.memory_space<semaphore_mem>>)
      tpu.wait_dma2 semaphore(%run_scoped3A : memref<!tpu.dma_semaphore, #tpu.memory_space<semaphore_mem>>) src(%arg4 : memref<128x128xf32, #tpu.memory_space<hbm>>) dst(%arg6 : memref<128x128xf32, #tpu.memory_space<vmem>>)
      tpu.yield
    }) : () -> ()
    %mul3A_1 = arith.constant 624 : i32
    %mul3A_2 = arith.muli %arg1, %mul3A_1 : i32
    %add3A = arith.constant 0 : i32
    %add3A_3 = arith.addi %mul3A_2, %add3A : i32
    "tpu.region"() ({
      %run_scoped3A = tpu.sem_alloc : memref<!tpu.dma_semaphore, #tpu.memory_space<semaphore_mem>>
      %dma_start3A_38 = arith.constant 0 : i32
      %dma_start3A_39 = tpu.memref_slice %arg9[%add3A_3, %dma_start3A_38] : memref<10016x128xf32, #tpu.memory_space<vmem_shared>> -> memref<128x128xf32, #tpu.memory_space<vmem_shared>>
      %dma_start3A_40 = arith.constant 0 : i32
      %dma_start3A_41 = tpu.memref_slice %arg9[%add3A_3, %dma_start3A_40] : memref<10016x128xf32, #tpu.memory_space<vmem_shared>> -> memref<128x128xf32, #tpu.memory_space<vmem_shared>>
      tpu.enqueue_dma source(%arg6 : memref<128x128xf32, #tpu.memory_space<vmem>>) target(%dma_start3A_41 : memref<128x128xf32, #tpu.memory_space<vmem_shared>>) target_semaphore(%run_scoped3A : memref<!tpu.dma_semaphore, #tpu.memory_space<semaphore_mem>>)
      %dma_wait3A = arith.constant 0 : i32
      %dma_wait3A_42 = tpu.memref_slice %arg9[%add3A_3, %dma_wait3A] : memref<10016x128xf32, #tpu.memory_space<vmem_shared>> -> memref<128x128xf32, #tpu.memory_space<vmem_shared>>
      %dma_wait3A_43 = arith.constant 0 : i32
      %dma_wait3A_44 = tpu.memref_slice %arg9[%add3A_3, %dma_wait3A_43] : memref<10016x128xf32, #tpu.memory_space<vmem_shared>> -> memref<128x128xf32, #tpu.memory_space<vmem_shared>>
      tpu.wait_dma2 semaphore(%run_scoped3A : memref<!tpu.dma_semaphore, #tpu.memory_space<semaphore_mem>>) src(%arg6 : memref<128x128xf32, #tpu.memory_space<vmem>>) dst(%dma_wait3A_44 : memref<128x128xf32, #tpu.memory_space<vmem_shared>>)
      tpu.yield
    }) : () -> ()
    %add3A_4 = arith.constant 128 : i32
    %add3A_5 = arith.addi %mul3A_2, %add3A_4 : i32
    "tpu.region"() ({
      %run_scoped3A = tpu.sem_alloc : memref<!tpu.dma_semaphore, #tpu.memory_space<semaphore_mem>>
      %dma_start3A_38 = arith.constant 0 : i32
      %dma_start3A_39 = tpu.memref_slice %arg9[%add3A_5, %dma_start3A_38] : memref<10016x128xf32, #tpu.memory_space<vmem_shared>> -> memref<128x128xf32, #tpu.memory_space<vmem_shared>>
      %dma_start3A_40 = arith.constant 0 : i32
      %dma_start3A_41 = tpu.memref_slice %arg9[%add3A_5, %dma_start3A_40] : memref<10016x128xf32, #tpu.memory_space<vmem_shared>> -> memref<128x128xf32, #tpu.memory_space<vmem_shared>>
      tpu.enqueue_dma source(%arg6 : memref<128x128xf32, #tpu.memory_space<vmem>>) target(%dma_start3A_41 : memref<128x128xf32, #tpu.memory_space<vmem_shared>>) target_semaphore(%run_scoped3A : memref<!tpu.dma_semaphore, #tpu.memory_space<semaphore_mem>>)
      %dma_wait3A = arith.constant 0 : i32
      %dma_wait3A_42 = tpu.memref_slice %arg9[%add3A_5, %dma_wait3A] : memref<10016x128xf32, #tpu.memory_space<vmem_shared>> -> memref<128x128xf32, #tpu.memory_space<vmem_shared>>
      %dma_wait3A_43 = arith.constant 0 : i32
      %dma_wait3A_44 = tpu.memref_slice %arg9[%add3A_5, %dma_wait3A_43] : memref<10016x128xf32, #tpu.memory_space<vmem_shared>> -> memref<128x128xf32, #tpu.memory_space<vmem_shared>>
      tpu.wait_dma2 semaphore(%run_scoped3A : memref<!tpu.dma_semaphore, #tpu.memory_space<semaphore_mem>>) src(%arg6 : memref<128x128xf32, #tpu.memory_space<vmem>>) dst(%dma_wait3A_44 : memref<128x128xf32, #tpu.memory_space<vmem_shared>>)
      tpu.yield
    }) : () -> ()
    %add3A_6 = arith.constant 256 : i32
    %add3A_7 = arith.addi %mul3A_2, %add3A_6 : i32
    "tpu.region"() ({
      %run_scoped3A = tpu.sem_alloc : memref<!tpu.dma_semaphore, #tpu.memory_space<semaphore_mem>>
      %dma_start3A_38 = arith.constant 0 : i32
      %dma_start3A_39 = tpu.memref_slice %arg9[%add3A_7, %dma_start3A_38] : memref<10016x128xf32, #tpu.memory_space<vmem_shared>> -> memref<128x128xf32, #tpu.memory_space<vmem_shared>>
      %dma_start3A_40 = arith.constant 0 : i32
      %dma_start3A_41 = tpu.memref_slice %arg9[%add3A_7, %dma_start3A_40] : memref<10016x128xf32, #tpu.memory_space<vmem_shared>> -> memref<128x128xf32, #tpu.memory_space<vmem_shared>>
      tpu.enqueue_dma source(%arg6 : memref<128x128xf32, #tpu.memory_space<vmem>>) target(%dma_start3A_41 : memref<128x128xf32, #tpu.memory_space<vmem_shared>>) target_semaphore(%run_scoped3A : memref<!tpu.dma_semaphore, #tpu.memory_space<semaphore_mem>>)
      %dma_wait3A = arith.constant 0 : i32
      %dma_wait3A_42 = tpu.memref_slice %arg9[%add3A_7, %dma_wait3A] : memref<10016x128xf32, #tpu.memory_space<vmem_shared>> -> memref<128x128xf32, #tpu.memory_space<vmem_shared>>
      %dma_wait3A_43 = arith.constant 0 : i32
      %dma_wait3A_44 = tpu.memref_slice %arg9[%add3A_7, %dma_wait3A_43] : memref<10016x128xf32, #tpu.memory_space<vmem_shared>> -> memref<128x128xf32, #tpu.memory_space<vmem_shared>>
      tpu.wait_dma2 semaphore(%run_scoped3A : memref<!tpu.dma_semaphore, #tpu.memory_space<semaphore_mem>>) src(%arg6 : memref<128x128xf32, #tpu.memory_space<vmem>>) dst(%dma_wait3A_44 : memref<128x128xf32, #tpu.memory_space<vmem_shared>>)
      tpu.yield
    }) : () -> ()
    %add3A_8 = arith.constant 384 : i32
    %add3A_9 = arith.addi %mul3A_2, %add3A_8 : i32
    "tpu.region"() ({
      %run_scoped3A = tpu.sem_alloc : memref<!tpu.dma_semaphore, #tpu.memory_space<semaphore_mem>>
      %dma_start3A_38 = arith.constant 0 : i32
      %dma_start3A_39 = tpu.memref_slice %arg9[%add3A_9, %dma_start3A_38] : memref<10016x128xf32, #tpu.memory_space<vmem_shared>> -> memref<128x128xf32, #tpu.memory_space<vmem_shared>>
      %dma_start3A_40 = arith.constant 0 : i32
      %dma_start3A_41 = tpu.memref_slice %arg9[%add3A_9, %dma_start3A_40] : memref<10016x128xf32, #tpu.memory_space<vmem_shared>> -> memref<128x128xf32, #tpu.memory_space<vmem_shared>>
      tpu.enqueue_dma source(%arg6 : memref<128x128xf32, #tpu.memory_space<vmem>>) target(%dma_start3A_41 : memref<128x128xf32, #tpu.memory_space<vmem_shared>>) target_semaphore(%run_scoped3A : memref<!tpu.dma_semaphore, #tpu.memory_space<semaphore_mem>>)
      %dma_wait3A = arith.constant 0 : i32
      %dma_wait3A_42 = tpu.memref_slice %arg9[%add3A_9, %dma_wait3A] : memref<10016x128xf32, #tpu.memory_space<vmem_shared>> -> memref<128x128xf32, #tpu.memory_space<vmem_shared>>
      %dma_wait3A_43 = arith.constant 0 : i32
      %dma_wait3A_44 = tpu.memref_slice %arg9[%add3A_9, %dma_wait3A_43] : memref<10016x128xf32, #tpu.memory_space<vmem_shared>> -> memref<128x128xf32, #tpu.memory_space<vmem_shared>>
      tpu.wait_dma2 semaphore(%run_scoped3A : memref<!tpu.dma_semaphore, #tpu.memory_space<semaphore_mem>>) src(%arg6 : memref<128x128xf32, #tpu.memory_space<vmem>>) dst(%dma_wait3A_44 : memref<128x128xf32, #tpu.memory_space<vmem_shared>>)
      tpu.yield
    }) : () -> ()
    %add3A_10 = arith.constant 512 : i32
    %add3A_11 = arith.addi %mul3A_2, %add3A_10 : i32
    "tpu.region"() ({
      %run_scoped3A = tpu.sem_alloc : memref<!tpu.dma_semaphore, #tpu.memory_space<semaphore_mem>>
      %dma_start3A_38 = arith.constant 0 : i32
      %dma_start3A_39 = arith.constant 0 : i32
      %dma_start3A_40 = tpu.memref_slice %arg6[%dma_start3A_38, %dma_start3A_39] : memref<128x128xf32, #tpu.memory_space<vmem>> -> memref<112x128xf32, #tpu.memory_space<vmem>>
      %dma_start3A_41 = arith.constant 0 : i32
      %dma_start3A_42 = tpu.memref_slice %arg9[%add3A_11, %dma_start3A_41] : memref<10016x128xf32, #tpu.memory_space<vmem_shared>> -> memref<112x128xf32, #tpu.memory_space<vmem_shared>>
      %dma_start3A_43 = arith.constant 0 : i32
      %dma_start3A_44 = tpu.memref_slice %arg9[%add3A_11, %dma_start3A_43] : memref<10016x128xf32, #tpu.memory_space<vmem_shared>> -> memref<112x128xf32, #tpu.memory_space<vmem_shared>>
      %dma_start3A_45 = arith.constant 0 : i32
      %dma_start3A_46 = arith.constant 0 : i32
      %dma_start3A_47 = tpu.memref_slice %arg6[%dma_start3A_45, %dma_start3A_46] : memref<128x128xf32, #tpu.memory_space<vmem>> -> memref<112x128xf32, #tpu.memory_space<vmem>>
      tpu.enqueue_dma source(%dma_start3A_47 : memref<112x128xf32, #tpu.memory_space<vmem>>) target(%dma_start3A_44 : memref<112x128xf32, #tpu.memory_space<vmem_shared>>) target_semaphore(%run_scoped3A : memref<!tpu.dma_semaphore, #tpu.memory_space<semaphore_mem>>)
      %dma_wait3A = arith.constant 0 : i32
      %dma_wait3A_48 = arith.constant 0 : i32
      %dma_wait3A_49 = tpu.memref_slice %arg6[%dma_wait3A, %dma_wait3A_48] : memref<128x128xf32, #tpu.memory_space<vmem>> -> memref<112x128xf32, #tpu.memory_space<vmem>>
      %dma_wait3A_50 = arith.constant 0 : i32
      %dma_wait3A_51 = tpu.memref_slice %arg9[%add3A_11, %dma_wait3A_50] : memref<10016x128xf32, #tpu.memory_space<vmem_shared>> -> memref<112x128xf32, #tpu.memory_space<vmem_shared>>
      %dma_wait3A_52 = arith.constant 0 : i32
      %dma_wait3A_53 = tpu.memref_slice %arg9[%add3A_11, %dma_wait3A_52] : memref<10016x128xf32, #tpu.memory_space<vmem_shared>> -> memref<112x128xf32, #tpu.memory_space<vmem_shared>>
      %dma_wait3A_54 = arith.constant 0 : i32
      %dma_wait3A_55 = arith.constant 0 : i32
      %dma_wait3A_56 = tpu.memref_slice %arg6[%dma_wait3A_54, %dma_wait3A_55] : memref<128x128xf32, #tpu.memory_space<vmem>> -> memref<112x128xf32, #tpu.memory_space<vmem>>
      tpu.wait_dma2 semaphore(%run_scoped3A : memref<!tpu.dma_semaphore, #tpu.memory_space<semaphore_mem>>) src(%dma_wait3A_56 : memref<112x128xf32, #tpu.memory_space<vmem>>) dst(%dma_wait3A_53 : memref<112x128xf32, #tpu.memory_space<vmem_shared>>)
      tpu.yield
    }) : () -> ()
    %eq3A = arith.constant 15 : i32
    %eq3A_12 = arith.cmpi eq, %arg1, %eq3A : i32
    %convert_element_type3A = arith.extui %eq3A_12 : i1 to i32
    %cond3A = arith.constant 0 : i32
    %cond3A_13 = arith.cmpi ne, %convert_element_type3A, %cond3A : i32
    scf.if %cond3A_13 {
      "tpu.region"() ({
        %run_scoped3A = tpu.sem_alloc : memref<!tpu.dma_semaphore, #tpu.memory_space<semaphore_mem>>
        %dma_start3A_38 = arith.constant 0 : i32
        %dma_start3A_39 = arith.constant 0 : i32
        %dma_start3A_40 = tpu.memref_slice %arg6[%dma_start3A_38, %dma_start3A_39] : memref<128x128xf32, #tpu.memory_space<vmem>> -> memref<32x128xf32, #tpu.memory_space<vmem>>
        %dma_start3A_41 = arith.constant 9984 : i32
        %dma_start3A_42 = arith.constant 0 : i32
        %dma_start3A_43 = tpu.memref_slice %arg9[%dma_start3A_41, %dma_start3A_42] : memref<10016x128xf32, #tpu.memory_space<vmem_shared>> -> memref<32x128xf32, #tpu.memory_space<vmem_shared>>
        %dma_start3A_44 = arith.constant 9984 : i32
        %dma_start3A_45 = arith.constant 0 : i32
        %dma_start3A_46 = tpu.memref_slice %arg9[%dma_start3A_44, %dma_start3A_45] : memref<10016x128xf32, #tpu.memory_space<vmem_shared>> -> memref<32x128xf32, #tpu.memory_space<vmem_shared>>
        %dma_start3A_47 = arith.constant 0 : i32
        %dma_start3A_48 = arith.constant 0 : i32
        %dma_start3A_49 = tpu.memref_slice %arg6[%dma_start3A_47, %dma_start3A_48] : memref<128x128xf32, #tpu.memory_space<vmem>> -> memref<32x128xf32, #tpu.memory_space<vmem>>
        tpu.enqueue_dma source(%dma_start3A_49 : memref<32x128xf32, #tpu.memory_space<vmem>>) target(%dma_start3A_46 : memref<32x128xf32, #tpu.memory_space<vmem_shared>>) target_semaphore(%run_scoped3A : memref<!tpu.dma_semaphore, #tpu.memory_space<semaphore_mem>>)
        %dma_wait3A = arith.constant 0 : i32
        %dma_wait3A_50 = arith.constant 0 : i32
        %dma_wait3A_51 = tpu.memref_slice %arg6[%dma_wait3A, %dma_wait3A_50] : memref<128x128xf32, #tpu.memory_space<vmem>> -> memref<32x128xf32, #tpu.memory_space<vmem>>
        %dma_wait3A_52 = arith.constant 9984 : i32
        %dma_wait3A_53 = arith.constant 0 : i32
        %dma_wait3A_54 = tpu.memref_slice %arg9[%dma_wait3A_52, %dma_wait3A_53] : memref<10016x128xf32, #tpu.memory_space<vmem_shared>> -> memref<32x128xf32, #tpu.memory_space<vmem_shared>>
        %dma_wait3A_55 = arith.constant 9984 : i32
        %dma_wait3A_56 = arith.constant 0 : i32
        %dma_wait3A_57 = tpu.memref_slice %arg9[%dma_wait3A_55, %dma_wait3A_56] : memref<10016x128xf32, #tpu.memory_space<vmem_shared>> -> memref<32x128xf32, #tpu.memory_space<vmem_shared>>
        %dma_wait3A_58 = arith.constant 0 : i32
        %dma_wait3A_59 = arith.constant 0 : i32
        %dma_wait3A_60 = tpu.memref_slice %arg6[%dma_wait3A_58, %dma_wait3A_59] : memref<128x128xf32, #tpu.memory_space<vmem>> -> memref<32x128xf32, #tpu.memory_space<vmem>>
        tpu.wait_dma2 semaphore(%run_scoped3A : memref<!tpu.dma_semaphore, #tpu.memory_space<semaphore_mem>>) src(%dma_wait3A_60 : memref<32x128xf32, #tpu.memory_space<vmem>>) dst(%dma_wait3A_57 : memref<32x128xf32, #tpu.memory_space<vmem_shared>>)
        tpu.yield
      }) : () -> ()
    } else {
    }
    %barrier3A = arith.constant 0 : index
    tpu.barrier barrier_id(%barrier3A)
    %mul3A_14 = arith.constant 10000 : i32
    %mul3A_15 = arith.muli %arg1, %mul3A_14 : i32
    "tpu.region"() ({
      %run_scoped3A = tpu.sem_alloc : memref<!tpu.dma_semaphore, #tpu.memory_space<semaphore_mem>>
      %dma_start3A_38 = arith.constant 0 : i32
      %dma_start3A_39 = arith.constant 0 : i32
      %dma_start3A_40 = tpu.memref_slice %arg3[%arg1, %dma_start3A_38, %dma_start3A_39] : memref<16x80x128xi32, #tpu.memory_space<hbm>> -> memref<1x80x128xi32, #tpu.memory_space<hbm>>
      %dma_start3A_41 = tpu.memref_squeeze %dma_start3A_40 : memref<1x80x128xi32, #tpu.memory_space<hbm>> -> memref<80x128xi32, #tpu.memory_space<hbm>>
      %dma_start3A_42 = arith.constant 0 : i32
      %dma_start3A_43 = arith.constant 0 : i32
      %dma_start3A_44 = tpu.memref_slice %arg3[%arg1, %dma_start3A_42, %dma_start3A_43] : memref<16x80x128xi32, #tpu.memory_space<hbm>> -> memref<1x80x128xi32, #tpu.memory_space<hbm>>
      %dma_start3A_45 = tpu.memref_squeeze %dma_start3A_44 : memref<1x80x128xi32, #tpu.memory_space<hbm>> -> memref<80x128xi32, #tpu.memory_space<hbm>>
      tpu.enqueue_dma source(%dma_start3A_45 : memref<80x128xi32, #tpu.memory_space<hbm>>) target(%arg8 : memref<80x128xi32, #tpu.memory_space<vmem>>) target_semaphore(%run_scoped3A : memref<!tpu.dma_semaphore, #tpu.memory_space<semaphore_mem>>)
      %dma_wait3A = arith.constant 0 : i32
      %dma_wait3A_46 = arith.constant 0 : i32
      %dma_wait3A_47 = tpu.memref_slice %arg3[%arg1, %dma_wait3A, %dma_wait3A_46] : memref<16x80x128xi32, #tpu.memory_space<hbm>> -> memref<1x80x128xi32, #tpu.memory_space<hbm>>
      %dma_wait3A_48 = tpu.memref_squeeze %dma_wait3A_47 : memref<1x80x128xi32, #tpu.memory_space<hbm>> -> memref<80x128xi32, #tpu.memory_space<hbm>>
      %dma_wait3A_49 = arith.constant 0 : i32
      %dma_wait3A_50 = arith.constant 0 : i32
      %dma_wait3A_51 = tpu.memref_slice %arg3[%arg1, %dma_wait3A_49, %dma_wait3A_50] : memref<16x80x128xi32, #tpu.memory_space<hbm>> -> memref<1x80x128xi32, #tpu.memory_space<hbm>>
      %dma_wait3A_52 = tpu.memref_squeeze %dma_wait3A_51 : memref<1x80x128xi32, #tpu.memory_space<hbm>> -> memref<80x128xi32, #tpu.memory_space<hbm>>
      tpu.wait_dma2 semaphore(%run_scoped3A : memref<!tpu.dma_semaphore, #tpu.memory_space<semaphore_mem>>) src(%dma_wait3A_52 : memref<80x128xi32, #tpu.memory_space<hbm>>) dst(%arg8 : memref<80x128xi32, #tpu.memory_space<vmem>>)
      tpu.yield
    }) : () -> ()
    %add3A_16 = arith.constant 0 : i32
    %add3A_17 = arith.addi %mul3A_15, %add3A_16 : i32
    %dma_start3A = tpu.memref_slice %arg2[%add3A_17, %mul3A_0] : memref<163840x256xf32, #tpu.memory_space<hbm>> -> memref<128x128xf32, #tpu.memory_space<hbm>>
    %dma_start3A_18 = tpu.memref_slice %arg2[%add3A_17, %mul3A_0] : memref<163840x256xf32, #tpu.memory_space<hbm>> -> memref<128x128xf32, #tpu.memory_space<hbm>>
    tpu.enqueue_dma source(%dma_start3A_18 : memref<128x128xf32, #tpu.memory_space<hbm>>) target(%arg6 : memref<128x128xf32, #tpu.memory_space<vmem>>) target_semaphore(%arg10 : memref<!tpu.dma_semaphore, #tpu.memory_space<semaphore_mem>>)
    %add3A_19 = arith.constant 128 : i32
    %add3A_20 = arith.addi %mul3A_15, %add3A_19 : i32
    %dma_start3A_21 = tpu.memref_slice %arg2[%add3A_20, %mul3A_0] : memref<163840x256xf32, #tpu.memory_space<hbm>> -> memref<128x128xf32, #tpu.memory_space<hbm>>
    %dma_start3A_22 = tpu.memref_slice %arg2[%add3A_20, %mul3A_0] : memref<163840x256xf32, #tpu.memory_space<hbm>> -> memref<128x128xf32, #tpu.memory_space<hbm>>
    tpu.enqueue_dma source(%dma_start3A_22 : memref<128x128xf32, #tpu.memory_space<hbm>>) target(%arg7 : memref<128x128xf32, #tpu.memory_space<vmem>>) target_semaphore(%arg11 : memref<!tpu.dma_semaphore, #tpu.memory_space<semaphore_mem>>)
    %scan3A = arith.constant 0 : i32
    %scan3A_23 = arith.constant 0 : i32
    %scan3A_24 = arith.constant 40 : i32
    %scan3A_25 = arith.addi %scan3A_23, %scan3A_24 : i32
    %scan3A_26 = arith.constant 1 : i32
    scf.for %scan3A_38 = %scan3A_23 to %scan3A_25 step %scan3A_26  : i32 {
      %mul3A_39 = arith.constant 2 : i32
      %mul3A_40 = arith.muli %mul3A_39, %scan3A_38 : i32
      %dma_wait3A = arith.constant 0 : i32
      %dma_wait3A_41 = arith.constant 0 : i32
      %dma_wait3A_42 = tpu.memref_slice %arg2[%dma_wait3A, %dma_wait3A_41] : memref<163840x256xf32, #tpu.memory_space<hbm>> -> memref<128x128xf32, #tpu.memory_space<hbm>>
      %dma_wait3A_43 = arith.constant 0 : i32
      %dma_wait3A_44 = arith.constant 0 : i32
      %dma_wait3A_45 = tpu.memref_slice %arg2[%dma_wait3A_43, %dma_wait3A_44] : memref<163840x256xf32, #tpu.memory_space<hbm>> -> memref<128x128xf32, #tpu.memory_space<hbm>>
      tpu.wait_dma2 semaphore(%arg10 : memref<!tpu.dma_semaphore, #tpu.memory_space<semaphore_mem>>) src(%dma_wait3A_45 : memref<128x128xf32, #tpu.memory_space<hbm>>) dst(%arg6 : memref<128x128xf32, #tpu.memory_space<vmem>>)
      "tpu.region"() ({
        %run_scoped3A = tpu.sem_alloc : memref<!tpu.dma_semaphore, #tpu.memory_space<semaphore_mem>>
        %dma_start3A_67 = arith.constant 0 : i32
        %dma_start3A_68 = tpu.memref_slice %arg8[%mul3A_40, %dma_start3A_67] : memref<80x128xi32, #tpu.memory_space<vmem>> -> memref<1x128xi32, #tpu.memory_space<vmem>>
        %dma_start3A_69 = tpu.memref_squeeze %dma_start3A_68 : memref<1x128xi32, #tpu.memory_space<vmem>> -> memref<128xi32, #tpu.memory_space<vmem>>
        %dma_start3A_70 = arith.constant 0 : i32
        %dma_start3A_71 = arith.constant 0 : i32
        %dma_start3A_72 = tpu.memref_slice %arg9[%dma_start3A_70, %dma_start3A_71] : memref<10016x128xf32, #tpu.memory_space<vmem_shared>> -> memref<10016x128xf32, #tpu.memory_space<vmem_shared>>
        tpu.enqueue_indirect_dma source(%arg6 : memref<128x128xf32, #tpu.memory_space<vmem>>) target(%dma_start3A_72 : memref<10016x128xf32, #tpu.memory_space<vmem_shared>>) offsets(%dma_start3A_69 : memref<128xi32, #tpu.memory_space<vmem>>) semaphore(%run_scoped3A : memref<!tpu.dma_semaphore, #tpu.memory_space<semaphore_mem>>) {add = true}
        %dma_wait3A_73 = arith.constant 0 : i32
        %dma_wait3A_74 = tpu.memref_slice %arg8[%mul3A_40, %dma_wait3A_73] : memref<80x128xi32, #tpu.memory_space<vmem>> -> memref<1x128xi32, #tpu.memory_space<vmem>>
        %dma_wait3A_75 = tpu.memref_squeeze %dma_wait3A_74 : memref<1x128xi32, #tpu.memory_space<vmem>> -> memref<128xi32, #tpu.memory_space<vmem>>
        %dma_wait3A_76 = arith.constant 0 : i32
        %dma_wait3A_77 = arith.constant 0 : i32
        %dma_wait3A_78 = tpu.memref_slice %arg9[%dma_wait3A_76, %dma_wait3A_77] : memref<10016x128xf32, #tpu.memory_space<vmem_shared>> -> memref<10016x128xf32, #tpu.memory_space<vmem_shared>>
        tpu.wait_indirect_dma semaphore(%run_scoped3A : memref<!tpu.dma_semaphore, #tpu.memory_space<semaphore_mem>>) src(%arg6 : memref<128x128xf32, #tpu.memory_space<vmem>>) dst(%dma_wait3A_78 : memref<10016x128xf32, #tpu.memory_space<vmem_shared>>)
        tpu.yield
      }) : () -> ()
      %add3A_46 = arith.constant 2 : i32
      %add3A_47 = arith.addi %mul3A_40, %add3A_46 : i32
      %lt3A = arith.constant 80 : i32
      %lt3A_48 = arith.cmpi slt, %add3A_47, %lt3A : i32
      %convert_element_type3A_49 = arith.extui %lt3A_48 : i1 to i32
      %cond3A_50 = arith.constant 0 : i32
      %cond3A_51 = arith.cmpi ne, %convert_element_type3A_49, %cond3A_50 : i32
      scf.if %cond3A_51 {
        %add3A_67 = arith.constant 2 : i32
        %add3A_68 = arith.addi %mul3A_40, %add3A_67 : i32
        %mul3A_69 = arith.constant 128 : i32
        %mul3A_70 = arith.muli %add3A_68, %mul3A_69 : i32
        %add3A_71 = arith.addi %mul3A_15, %mul3A_70 : i32
        %dma_start3A_72 = tpu.memref_slice %arg2[%add3A_71, %mul3A_0] : memref<163840x256xf32, #tpu.memory_space<hbm>> -> memref<128x128xf32, #tpu.memory_space<hbm>>
        %dma_start3A_73 = tpu.memref_slice %arg2[%add3A_71, %mul3A_0] : memref<163840x256xf32, #tpu.memory_space<hbm>> -> memref<128x128xf32, #tpu.memory_space<hbm>>
        tpu.enqueue_dma source(%dma_start3A_73 : memref<128x128xf32, #tpu.memory_space<hbm>>) target(%arg6 : memref<128x128xf32, #tpu.memory_space<vmem>>) target_semaphore(%arg10 : memref<!tpu.dma_semaphore, #tpu.memory_space<semaphore_mem>>)
      } else {
      }
      %dma_wait3A_52 = arith.constant 0 : i32
      %dma_wait3A_53 = arith.constant 0 : i32
      %dma_wait3A_54 = tpu.memref_slice %arg2[%dma_wait3A_52, %dma_wait3A_53] : memref<163840x256xf32, #tpu.memory_space<hbm>> -> memref<128x128xf32, #tpu.memory_space<hbm>>
      %dma_wait3A_55 = arith.constant 0 : i32
      %dma_wait3A_56 = arith.constant 0 : i32
      %dma_wait3A_57 = tpu.memref_slice %arg2[%dma_wait3A_55, %dma_wait3A_56] : memref<163840x256xf32, #tpu.memory_space<hbm>> -> memref<128x128xf32, #tpu.memory_space<hbm>>
      tpu.wait_dma2 semaphore(%arg11 : memref<!tpu.dma_semaphore, #tpu.memory_space<semaphore_mem>>) src(%dma_wait3A_57 : memref<128x128xf32, #tpu.memory_space<hbm>>) dst(%arg7 : memref<128x128xf32, #tpu.memory_space<vmem>>)
      %add3A_58 = arith.constant 1 : i32
      %add3A_59 = arith.addi %mul3A_40, %add3A_58 : i32
      "tpu.region"() ({
        %run_scoped3A = tpu.sem_alloc : memref<!tpu.dma_semaphore, #tpu.memory_space<semaphore_mem>>
        %dma_start3A_67 = arith.constant 0 : i32
        %dma_start3A_68 = tpu.memref_slice %arg8[%add3A_59, %dma_start3A_67] : memref<80x128xi32, #tpu.memory_space<vmem>> -> memref<1x128xi32, #tpu.memory_space<vmem>>
        %dma_start3A_69 = tpu.memref_squeeze %dma_start3A_68 : memref<1x128xi32, #tpu.memory_space<vmem>> -> memref<128xi32, #tpu.memory_space<vmem>>
        %dma_start3A_70 = arith.constant 0 : i32
        %dma_start3A_71 = arith.constant 0 : i32
        %dma_start3A_72 = tpu.memref_slice %arg9[%dma_start3A_70, %dma_start3A_71] : memref<10016x128xf32, #tpu.memory_space<vmem_shared>> -> memref<10016x128xf32, #tpu.memory_space<vmem_shared>>
        tpu.enqueue_indirect_dma source(%arg7 : memref<128x128xf32, #tpu.memory_space<vmem>>) target(%dma_start3A_72 : memref<10016x128xf32, #tpu.memory_space<vmem_shared>>) offsets(%dma_start3A_69 : memref<128xi32, #tpu.memory_space<vmem>>) semaphore(%run_scoped3A : memref<!tpu.dma_semaphore, #tpu.memory_space<semaphore_mem>>) {add = true}
        %dma_wait3A_73 = arith.constant 0 : i32
        %dma_wait3A_74 = tpu.memref_slice %arg8[%add3A_59, %dma_wait3A_73] : memref<80x128xi32, #tpu.memory_space<vmem>> -> memref<1x128xi32, #tpu.memory_space<vmem>>
        %dma_wait3A_75 = tpu.memref_squeeze %dma_wait3A_74 : memref<1x128xi32, #tpu.memory_space<vmem>> -> memref<128xi32, #tpu.memory_space<vmem>>
        %dma_wait3A_76 = arith.constant 0 : i32
        %dma_wait3A_77 = arith.constant 0 : i32
        %dma_wait3A_78 = tpu.memref_slice %arg9[%dma_wait3A_76, %dma_wait3A_77] : memref<10016x128xf32, #tpu.memory_space<vmem_shared>> -> memref<10016x128xf32, #tpu.memory_space<vmem_shared>>
        tpu.wait_indirect_dma semaphore(%run_scoped3A : memref<!tpu.dma_semaphore, #tpu.memory_space<semaphore_mem>>) src(%arg7 : memref<128x128xf32, #tpu.memory_space<vmem>>) dst(%dma_wait3A_78 : memref<10016x128xf32, #tpu.memory_space<vmem_shared>>)
        tpu.yield
      }) : () -> ()
      %add3A_60 = arith.constant 3 : i32
      %add3A_61 = arith.addi %mul3A_40, %add3A_60 : i32
      %lt3A_62 = arith.constant 80 : i32
      %lt3A_63 = arith.cmpi slt, %add3A_61, %lt3A_62 : i32
      %convert_element_type3A_64 = arith.extui %lt3A_63 : i1 to i32
      %cond3A_65 = arith.constant 0 : i32
      %cond3A_66 = arith.cmpi ne, %convert_element_type3A_64, %cond3A_65 : i32
      scf.if %cond3A_66 {
        %add3A_67 = arith.constant 3 : i32
        %add3A_68 = arith.addi %mul3A_40, %add3A_67 : i32
        %mul3A_69 = arith.constant 128 : i32
        %mul3A_70 = arith.muli %add3A_68, %mul3A_69 : i32
        %add3A_71 = arith.addi %mul3A_15, %mul3A_70 : i32
        %dma_start3A_72 = tpu.memref_slice %arg2[%add3A_71, %mul3A_0] : memref<163840x256xf32, #tpu.memory_space<hbm>> -> memref<128x128xf32, #tpu.memory_space<hbm>>
        %dma_start3A_73 = tpu.memref_slice %arg2[%add3A_71, %mul3A_0] : memref<163840x256xf32, #tpu.memory_space<hbm>> -> memref<128x128xf32, #tpu.memory_space<hbm>>
        tpu.enqueue_dma source(%dma_start3A_73 : memref<128x128xf32, #tpu.memory_space<hbm>>) target(%arg7 : memref<128x128xf32, #tpu.memory_space<vmem>>) target_semaphore(%arg11 : memref<!tpu.dma_semaphore, #tpu.memory_space<semaphore_mem>>)
      } else {
      }
    }
    %scan3A_27 = arith.constant 40 : i32
    %barrier3A_28 = arith.constant 0 : index
    tpu.barrier barrier_id(%barrier3A_28)
    %mul3A_29 = arith.constant 624 : i32
    %mul3A_30 = arith.muli %arg1, %mul3A_29 : i32
    %mul3A_31 = arith.constant 624 : i32
    %mul3A_32 = arith.muli %arg1, %mul3A_31 : i32
    "tpu.region"() ({
      %run_scoped3A = tpu.sem_alloc : memref<!tpu.dma_semaphore, #tpu.memory_space<semaphore_mem>>
      %dma_start3A_38 = tpu.memref_slice %arg5[%mul3A_32, %mul3A_0] : memref<10000x256xf32, #tpu.memory_space<hbm>> -> memref<624x128xf32, #tpu.memory_space<hbm>>
      %dma_start3A_39 = arith.constant 0 : i32
      %dma_start3A_40 = tpu.memref_slice %arg9[%mul3A_30, %dma_start3A_39] : memref<10016x128xf32, #tpu.memory_space<vmem_shared>> -> memref<624x128xf32, #tpu.memory_space<vmem_shared>>
      tpu.enqueue_dma source(%dma_start3A_40 : memref<624x128xf32, #tpu.memory_space<vmem_shared>>) target(%dma_start3A_38 : memref<624x128xf32, #tpu.memory_space<hbm>>) target_semaphore(%run_scoped3A : memref<!tpu.dma_semaphore, #tpu.memory_space<semaphore_mem>>)
      %dma_wait3A = tpu.memref_slice %arg5[%mul3A_32, %mul3A_0] : memref<10000x256xf32, #tpu.memory_space<hbm>> -> memref<624x128xf32, #tpu.memory_space<hbm>>
      %dma_wait3A_41 = arith.constant 0 : i32
      %dma_wait3A_42 = tpu.memref_slice %arg9[%mul3A_30, %dma_wait3A_41] : memref<10016x128xf32, #tpu.memory_space<vmem_shared>> -> memref<624x128xf32, #tpu.memory_space<vmem_shared>>
      tpu.wait_dma2 semaphore(%run_scoped3A : memref<!tpu.dma_semaphore, #tpu.memory_space<semaphore_mem>>) src(%dma_wait3A_42 : memref<624x128xf32, #tpu.memory_space<vmem_shared>>) dst(%dma_wait3A : memref<624x128xf32, #tpu.memory_space<hbm>>)
      tpu.yield
    }) : () -> ()
    %eq3A_33 = arith.constant 15 : i32
    %eq3A_34 = arith.cmpi eq, %arg1, %eq3A_33 : i32
    %convert_element_type3A_35 = arith.extui %eq3A_34 : i1 to i32
    %cond3A_36 = arith.constant 0 : i32
    %cond3A_37 = arith.cmpi ne, %convert_element_type3A_35, %cond3A_36 : i32
    scf.if %cond3A_37 {
      "tpu.region"() ({
        %run_scoped3A = tpu.sem_alloc : memref<!tpu.dma_semaphore, #tpu.memory_space<semaphore_mem>>
        %dma_start3A_38 = arith.constant 9984 : i32
        %dma_start3A_39 = tpu.memref_slice %arg5[%dma_start3A_38, %mul3A_0] : memref<10000x256xf32, #tpu.memory_space<hbm>> -> memref<16x128xf32, #tpu.memory_space<hbm>>
        %dma_start3A_40 = arith.constant 9984 : i32
        %dma_start3A_41 = arith.constant 0 : i32
        %dma_start3A_42 = tpu.memref_slice %arg9[%dma_start3A_40, %dma_start3A_41] : memref<10016x128xf32, #tpu.memory_space<vmem_shared>> -> memref<16x128xf32, #tpu.memory_space<vmem_shared>>
        tpu.enqueue_dma source(%dma_start3A_42 : memref<16x128xf32, #tpu.memory_space<vmem_shared>>) target(%dma_start3A_39 : memref<16x128xf32, #tpu.memory_space<hbm>>) target_semaphore(%run_scoped3A : memref<!tpu.dma_semaphore, #tpu.memory_space<semaphore_mem>>)
        %dma_wait3A = arith.constant 9984 : i32
        %dma_wait3A_43 = tpu.memref_slice %arg5[%dma_wait3A, %mul3A_0] : memref<10000x256xf32, #tpu.memory_space<hbm>> -> memref<16x128xf32, #tpu.memory_space<hbm>>
        %dma_wait3A_44 = arith.constant 9984 : i32
        %dma_wait3A_45 = arith.constant 0 : i32
        %dma_wait3A_46 = tpu.memref_slice %arg9[%dma_wait3A_44, %dma_wait3A_45] : memref<10016x128xf32, #tpu.memory_space<vmem_shared>> -> memref<16x128xf32, #tpu.memory_space<vmem_shared>>
        tpu.wait_dma2 semaphore(%run_scoped3A : memref<!tpu.dma_semaphore, #tpu.memory_space<semaphore_mem>>) src(%dma_wait3A_46 : memref<16x128xf32, #tpu.memory_space<vmem_shared>>) dst(%dma_wait3A_43 : memref<16x128xf32, #tpu.memory_space<hbm>>)
        tpu.yield
      }) : () -> ()
    } else {
    }
    return
  }
}

module attributes {stable_mosaic.version = 14 : i64} {
  func.func @_tc_features(%arg0: i32, %arg1: memref<1x2048xf32, #tpu.memory_space<vmem>>, %arg2: memref<1x2048xf32, #tpu.memory_space<vmem>>, %arg3: memref<1x2048xf32, #tpu.memory_space<vmem>>, %arg4: memref<1x2048xi32, #tpu.memory_space<vmem>>, %arg5: memref<8x4xf32, #tpu.memory_space<vmem>>, %arg6: memref<16x256xbf16, #tpu.memory_space<vmem>>, %arg7: memref<18x256xbf16, #tpu.memory_space<vmem>>, %arg8: memref<4x256xf32, #tpu.memory_space<vmem>>, %arg9: memref<2048x256xf32, #tpu.memory_space<vmem>>) attributes {dimension_semantics = [#tpu.dimension_semantics<arbitrary>], iteration_bounds = array<i64: 80>, scalar_prefetch = 0 : i64, scratch_operands = 0 : i64, tpu.core_type = #tpu.core_type<tc>, window_params = [{transform_indices = @transform_0, window_bounds = array<i64: 1, 2048>}, {transform_indices = @transform_1, window_bounds = array<i64: 1, 2048>}, {transform_indices = @transform_2, window_bounds = array<i64: 1, 2048>}, {transform_indices = @transform_3, window_bounds = array<i64: 1, 2048>}, {pipeline_mode = #tpu.pipeline_mode<synchronous>, transform_indices = @transform_4, window_bounds = array<i64: 8, 4>}, {pipeline_mode = #tpu.pipeline_mode<synchronous>, transform_indices = @transform_5, window_bounds = array<i64: 16, 256>}, {pipeline_mode = #tpu.pipeline_mode<synchronous>, transform_indices = @transform_6, window_bounds = array<i64: 18, 256>}, {pipeline_mode = #tpu.pipeline_mode<synchronous>, transform_indices = @transform_7, window_bounds = array<i64: 4, 256>}, {transform_indices = @transform_8, window_bounds = array<i64: 2048, 256>}]} {
    %get3A = arith.constant 0 : index
    %get3A_0 = arith.constant 0 : index
    %get3A_1 = vector.load %arg1[%get3A, %get3A_0] : memref<1x2048xf32, #tpu.memory_space<vmem>>, vector<1x2048xf32>
    %get3A_2 = arith.constant 0 : index
    %get3A_3 = arith.constant 0 : index
    %get3A_4 = vector.load %arg2[%get3A_2, %get3A_3] : memref<1x2048xf32, #tpu.memory_space<vmem>>, vector<1x2048xf32>
    %get3A_5 = arith.constant 0 : index
    %get3A_6 = arith.constant 0 : index
    %get3A_7 = vector.load %arg3[%get3A_5, %get3A_6] : memref<1x2048xf32, #tpu.memory_space<vmem>>, vector<1x2048xf32>
    %mul3A = arith.mulf %get3A_1, %get3A_1 : vector<1x2048xf32>
    %mul3A_8 = arith.mulf %get3A_4, %get3A_4 : vector<1x2048xf32>
    %add3A = arith.addf %mul3A, %mul3A_8 : vector<1x2048xf32>
    %mul3A_9 = arith.mulf %get3A_7, %get3A_7 : vector<1x2048xf32>
    %add3A_10 = arith.addf %add3A, %mul3A_9 : vector<1x2048xf32>
    %jit3A = arith.constant 9.99999996E-13 : f32
    %max3A = vector.broadcast %jit3A : f32 to vector<1x2048xf32>
    %max3A_11 = arith.maximumf %max3A, %add3A_10 : vector<1x2048xf32>
    %sqrt3A = math.sqrt %max3A_11 : vector<1x2048xf32>
    %add3A_12 = arith.constant 9.99999996E-13 : f32
    %add3A_13 = vector.broadcast %add3A_12 : f32 to vector<1x2048xf32>
    %add3A_14 = arith.addf %add3A_10, %add3A_13 : vector<1x2048xf32>
    %sqrt3A_15 = math.sqrt %add3A_14 : vector<1x2048xf32>
    %div3A = arith.constant 1.000000e+00 : f32
    %div3A_16 = vector.broadcast %div3A : f32 to vector<1x2048xf32>
    %div3A_17 = arith.divf %div3A_16, %sqrt3A_15 : vector<1x2048xf32>
    %mul3A_18 = arith.mulf %get3A_1, %div3A_17 : vector<1x2048xf32>
    %mul3A_19 = arith.mulf %get3A_4, %div3A_17 : vector<1x2048xf32>
    %mul3A_20 = arith.mulf %get3A_7, %div3A_17 : vector<1x2048xf32>
    %mul3A_21 = arith.mulf %mul3A_20, %mul3A_20 : vector<1x2048xf32>
    %broadcast_in_dim3A = arith.constant 1.000000e+00 : f32
    %broadcast_in_dim3A_22 = vector.broadcast %broadcast_in_dim3A : f32 to vector<1x2048xf32>
    %mul3A_23 = arith.constant 0.282094806 : f32
    %mul3A_24 = vector.broadcast %mul3A_23 : f32 to vector<1x2048xf32>
    %mul3A_25 = arith.mulf %mul3A_24, %broadcast_in_dim3A_22 : vector<1x2048xf32>
    %mul3A_26 = arith.constant 0.488602519 : f32
    %mul3A_27 = vector.broadcast %mul3A_26 : f32 to vector<1x2048xf32>
    %mul3A_28 = arith.mulf %mul3A_27, %mul3A_19 : vector<1x2048xf32>
    %mul3A_29 = arith.constant 0.488602519 : f32
    %mul3A_30 = vector.broadcast %mul3A_29 : f32 to vector<1x2048xf32>
    %mul3A_31 = arith.mulf %mul3A_30, %mul3A_20 : vector<1x2048xf32>
    %mul3A_32 = arith.constant 0.488602519 : f32
    %mul3A_33 = vector.broadcast %mul3A_32 : f32 to vector<1x2048xf32>
    %mul3A_34 = arith.mulf %mul3A_33, %mul3A_18 : vector<1x2048xf32>
    %mul3A_35 = arith.constant 1.09254849 : f32
    %mul3A_36 = vector.broadcast %mul3A_35 : f32 to vector<1x2048xf32>
    %mul3A_37 = arith.mulf %mul3A_36, %mul3A_18 : vector<1x2048xf32>
    %mul3A_38 = arith.mulf %mul3A_37, %mul3A_19 : vector<1x2048xf32>
    %mul3A_39 = arith.constant 1.09254849 : f32
    %mul3A_40 = vector.broadcast %mul3A_39 : f32 to vector<1x2048xf32>
    %mul3A_41 = arith.mulf %mul3A_40, %mul3A_19 : vector<1x2048xf32>
    %mul3A_42 = arith.mulf %mul3A_41, %mul3A_20 : vector<1x2048xf32>
    %mul3A_43 = arith.constant 3.000000e+00 : f32
    %mul3A_44 = vector.broadcast %mul3A_43 : f32 to vector<1x2048xf32>
    %mul3A_45 = arith.mulf %mul3A_44, %mul3A_21 : vector<1x2048xf32>
    %sub3A = arith.constant 1.000000e+00 : f32
    %sub3A_46 = vector.broadcast %sub3A : f32 to vector<1x2048xf32>
    %sub3A_47 = arith.subf %mul3A_45, %sub3A_46 : vector<1x2048xf32>
    %mul3A_48 = arith.constant 0.31539157 : f32
    %mul3A_49 = vector.broadcast %mul3A_48 : f32 to vector<1x2048xf32>
    %mul3A_50 = arith.mulf %mul3A_49, %sub3A_47 : vector<1x2048xf32>
    %mul3A_51 = arith.constant 1.09254849 : f32
    %mul3A_52 = vector.broadcast %mul3A_51 : f32 to vector<1x2048xf32>
    %mul3A_53 = arith.mulf %mul3A_52, %mul3A_18 : vector<1x2048xf32>
    %mul3A_54 = arith.mulf %mul3A_53, %mul3A_20 : vector<1x2048xf32>
    %mul3A_55 = arith.mulf %mul3A_18, %mul3A_18 : vector<1x2048xf32>
    %mul3A_56 = arith.mulf %mul3A_19, %mul3A_19 : vector<1x2048xf32>
    %sub3A_57 = arith.subf %mul3A_55, %mul3A_56 : vector<1x2048xf32>
    %mul3A_58 = arith.constant 0.546274245 : f32
    %mul3A_59 = vector.broadcast %mul3A_58 : f32 to vector<1x2048xf32>
    %mul3A_60 = arith.mulf %mul3A_59, %sub3A_57 : vector<1x2048xf32>
    %mul3A_61 = arith.constant 0.590043604 : f32
    %mul3A_62 = vector.broadcast %mul3A_61 : f32 to vector<1x2048xf32>
    %mul3A_63 = arith.mulf %mul3A_62, %mul3A_19 : vector<1x2048xf32>
    %mul3A_64 = arith.constant 3.000000e+00 : f32
    %mul3A_65 = vector.broadcast %mul3A_64 : f32 to vector<1x2048xf32>
    %mul3A_66 = arith.mulf %mul3A_65, %mul3A_18 : vector<1x2048xf32>
    %mul3A_67 = arith.mulf %mul3A_66, %mul3A_18 : vector<1x2048xf32>
    %mul3A_68 = arith.mulf %mul3A_19, %mul3A_19 : vector<1x2048xf32>
    %sub3A_69 = arith.subf %mul3A_67, %mul3A_68 : vector<1x2048xf32>
    %mul3A_70 = arith.mulf %mul3A_63, %sub3A_69 : vector<1x2048xf32>
    %mul3A_71 = arith.constant 2.89061141 : f32
    %mul3A_72 = vector.broadcast %mul3A_71 : f32 to vector<1x2048xf32>
    %mul3A_73 = arith.mulf %mul3A_72, %mul3A_18 : vector<1x2048xf32>
    %mul3A_74 = arith.mulf %mul3A_73, %mul3A_19 : vector<1x2048xf32>
    %mul3A_75 = arith.mulf %mul3A_74, %mul3A_20 : vector<1x2048xf32>
    %mul3A_76 = arith.constant 0.457045794 : f32
    %mul3A_77 = vector.broadcast %mul3A_76 : f32 to vector<1x2048xf32>
    %mul3A_78 = arith.mulf %mul3A_77, %mul3A_19 : vector<1x2048xf32>
    %mul3A_79 = arith.constant 5.000000e+00 : f32
    %mul3A_80 = vector.broadcast %mul3A_79 : f32 to vector<1x2048xf32>
    %mul3A_81 = arith.mulf %mul3A_80, %mul3A_21 : vector<1x2048xf32>
    %sub3A_82 = arith.constant 1.000000e+00 : f32
    %sub3A_83 = vector.broadcast %sub3A_82 : f32 to vector<1x2048xf32>
    %sub3A_84 = arith.subf %mul3A_81, %sub3A_83 : vector<1x2048xf32>
    %mul3A_85 = arith.mulf %mul3A_78, %sub3A_84 : vector<1x2048xf32>
    %mul3A_86 = arith.constant 0.373176336 : f32
    %mul3A_87 = vector.broadcast %mul3A_86 : f32 to vector<1x2048xf32>
    %mul3A_88 = arith.mulf %mul3A_87, %mul3A_20 : vector<1x2048xf32>
    %mul3A_89 = arith.constant 5.000000e+00 : f32
    %mul3A_90 = vector.broadcast %mul3A_89 : f32 to vector<1x2048xf32>
    %mul3A_91 = arith.mulf %mul3A_90, %mul3A_21 : vector<1x2048xf32>
    %sub3A_92 = arith.constant 3.000000e+00 : f32
    %sub3A_93 = vector.broadcast %sub3A_92 : f32 to vector<1x2048xf32>
    %sub3A_94 = arith.subf %mul3A_91, %sub3A_93 : vector<1x2048xf32>
    %mul3A_95 = arith.mulf %mul3A_88, %sub3A_94 : vector<1x2048xf32>
    %mul3A_96 = arith.constant 0.457045794 : f32
    %mul3A_97 = vector.broadcast %mul3A_96 : f32 to vector<1x2048xf32>
    %mul3A_98 = arith.mulf %mul3A_97, %mul3A_18 : vector<1x2048xf32>
    %mul3A_99 = arith.constant 5.000000e+00 : f32
    %mul3A_100 = vector.broadcast %mul3A_99 : f32 to vector<1x2048xf32>
    %mul3A_101 = arith.mulf %mul3A_100, %mul3A_21 : vector<1x2048xf32>
    %sub3A_102 = arith.constant 1.000000e+00 : f32
    %sub3A_103 = vector.broadcast %sub3A_102 : f32 to vector<1x2048xf32>
    %sub3A_104 = arith.subf %mul3A_101, %sub3A_103 : vector<1x2048xf32>
    %mul3A_105 = arith.mulf %mul3A_98, %sub3A_104 : vector<1x2048xf32>
    %mul3A_106 = arith.constant 1.44530571 : f32
    %mul3A_107 = vector.broadcast %mul3A_106 : f32 to vector<1x2048xf32>
    %mul3A_108 = arith.mulf %mul3A_107, %mul3A_20 : vector<1x2048xf32>
    %mul3A_109 = arith.mulf %mul3A_18, %mul3A_18 : vector<1x2048xf32>
    %mul3A_110 = arith.mulf %mul3A_19, %mul3A_19 : vector<1x2048xf32>
    %sub3A_111 = arith.subf %mul3A_109, %mul3A_110 : vector<1x2048xf32>
    %mul3A_112 = arith.mulf %mul3A_108, %sub3A_111 : vector<1x2048xf32>
    %mul3A_113 = arith.constant 0.590043604 : f32
    %mul3A_114 = vector.broadcast %mul3A_113 : f32 to vector<1x2048xf32>
    %mul3A_115 = arith.mulf %mul3A_114, %mul3A_18 : vector<1x2048xf32>
    %mul3A_116 = arith.mulf %mul3A_18, %mul3A_18 : vector<1x2048xf32>
    %mul3A_117 = arith.constant 3.000000e+00 : f32
    %mul3A_118 = vector.broadcast %mul3A_117 : f32 to vector<1x2048xf32>
    %mul3A_119 = arith.mulf %mul3A_118, %mul3A_19 : vector<1x2048xf32>
    %mul3A_120 = arith.mulf %mul3A_119, %mul3A_19 : vector<1x2048xf32>
    %sub3A_121 = arith.subf %mul3A_116, %mul3A_120 : vector<1x2048xf32>
    %mul3A_122 = arith.mulf %mul3A_115, %sub3A_121 : vector<1x2048xf32>
    %concatenate3A = tpu.concatenate %mul3A_25, %mul3A_28, %mul3A_31, %mul3A_34, %mul3A_38, %mul3A_42, %mul3A_50, %mul3A_54, %mul3A_60, %mul3A_70, %mul3A_75, %mul3A_85, %mul3A_95, %mul3A_105, %mul3A_112, %mul3A_122 in 0 : vector<1x2048xf32>, vector<1x2048xf32>, vector<1x2048xf32>, vector<1x2048xf32>, vector<1x2048xf32>, vector<1x2048xf32>, vector<1x2048xf32>, vector<1x2048xf32>, vector<1x2048xf32>, vector<1x2048xf32>, vector<1x2048xf32>, vector<1x2048xf32>, vector<1x2048xf32>, vector<1x2048xf32>, vector<1x2048xf32>, vector<1x2048xf32> -> vector<16x2048xf32>
    %mul3A_123 = arith.constant 2.000000e-01 : f32
    %mul3A_124 = vector.broadcast %mul3A_123 : f32 to vector<1x2048xf32>
    %mul3A_125 = arith.mulf %sqrt3A, %mul3A_124 : vector<1x2048xf32>
    %broadcast_in_dim3A_126 = arith.constant 1.000000e+00 : f32
    %broadcast_in_dim3A_127 = vector.broadcast %broadcast_in_dim3A_126 : f32 to vector<1x2048xf32>
    %mul3A_128 = arith.mulf %mul3A_125, %mul3A_125 : vector<1x2048xf32>
    %mul3A_129 = arith.mulf %mul3A_125, %mul3A_125 : vector<1x2048xf32>
    %mul3A_130 = arith.mulf %mul3A_129, %mul3A_125 : vector<1x2048xf32>
    %mul3A_131 = arith.constant 0.628318548 : f32
    %mul3A_132 = vector.broadcast %mul3A_131 : f32 to vector<1x2048xf32>
    %mul3A_133 = arith.mulf %mul3A_132, %sqrt3A : vector<1x2048xf32>
    %sin3A = math.sin %mul3A_133 : vector<1x2048xf32>
    %mul3A_134 = arith.mulf %broadcast_in_dim3A_127, %sin3A : vector<1x2048xf32>
    %add3A_135 = arith.constant 9.99999993E-9 : f32
    %add3A_136 = vector.broadcast %add3A_135 : f32 to vector<1x2048xf32>
    %add3A_137 = arith.addf %mul3A_133, %add3A_136 : vector<1x2048xf32>
    %div3A_138 = arith.divf %mul3A_134, %add3A_137 : vector<1x2048xf32>
    %mul3A_139 = arith.constant 1.2566371 : f32
    %mul3A_140 = vector.broadcast %mul3A_139 : f32 to vector<1x2048xf32>
    %mul3A_141 = arith.mulf %mul3A_140, %sqrt3A : vector<1x2048xf32>
    %sin3A_142 = math.sin %mul3A_141 : vector<1x2048xf32>
    %mul3A_143 = arith.mulf %broadcast_in_dim3A_127, %sin3A_142 : vector<1x2048xf32>
    %add3A_144 = arith.constant 9.99999993E-9 : f32
    %add3A_145 = vector.broadcast %add3A_144 : f32 to vector<1x2048xf32>
    %add3A_146 = arith.addf %mul3A_141, %add3A_145 : vector<1x2048xf32>
    %div3A_147 = arith.divf %mul3A_143, %add3A_146 : vector<1x2048xf32>
    %mul3A_148 = arith.constant 1.88495564 : f32
    %mul3A_149 = vector.broadcast %mul3A_148 : f32 to vector<1x2048xf32>
    %mul3A_150 = arith.mulf %mul3A_149, %sqrt3A : vector<1x2048xf32>
    %sin3A_151 = math.sin %mul3A_150 : vector<1x2048xf32>
    %mul3A_152 = arith.mulf %broadcast_in_dim3A_127, %sin3A_151 : vector<1x2048xf32>
    %add3A_153 = arith.constant 9.99999993E-9 : f32
    %add3A_154 = vector.broadcast %add3A_153 : f32 to vector<1x2048xf32>
    %add3A_155 = arith.addf %mul3A_150, %add3A_154 : vector<1x2048xf32>
    %div3A_156 = arith.divf %mul3A_152, %add3A_155 : vector<1x2048xf32>
    %mul3A_157 = arith.constant 2.51327419 : f32
    %mul3A_158 = vector.broadcast %mul3A_157 : f32 to vector<1x2048xf32>
    %mul3A_159 = arith.mulf %mul3A_158, %sqrt3A : vector<1x2048xf32>
    %sin3A_160 = math.sin %mul3A_159 : vector<1x2048xf32>
    %mul3A_161 = arith.mulf %broadcast_in_dim3A_127, %sin3A_160 : vector<1x2048xf32>
    %add3A_162 = arith.constant 9.99999993E-9 : f32
    %add3A_163 = vector.broadcast %add3A_162 : f32 to vector<1x2048xf32>
    %add3A_164 = arith.addf %mul3A_159, %add3A_163 : vector<1x2048xf32>
    %div3A_165 = arith.divf %mul3A_161, %add3A_164 : vector<1x2048xf32>
    %mul3A_166 = arith.constant 3.14159274 : f32
    %mul3A_167 = vector.broadcast %mul3A_166 : f32 to vector<1x2048xf32>
    %mul3A_168 = arith.mulf %mul3A_167, %sqrt3A : vector<1x2048xf32>
    %sin3A_169 = math.sin %mul3A_168 : vector<1x2048xf32>
    %mul3A_170 = arith.mulf %broadcast_in_dim3A_127, %sin3A_169 : vector<1x2048xf32>
    %add3A_171 = arith.constant 9.99999993E-9 : f32
    %add3A_172 = vector.broadcast %add3A_171 : f32 to vector<1x2048xf32>
    %add3A_173 = arith.addf %mul3A_168, %add3A_172 : vector<1x2048xf32>
    %div3A_174 = arith.divf %mul3A_170, %add3A_173 : vector<1x2048xf32>
    %mul3A_175 = arith.constant 3.76991129 : f32
    %mul3A_176 = vector.broadcast %mul3A_175 : f32 to vector<1x2048xf32>
    %mul3A_177 = arith.mulf %mul3A_176, %sqrt3A : vector<1x2048xf32>
    %sin3A_178 = math.sin %mul3A_177 : vector<1x2048xf32>
    %mul3A_179 = arith.mulf %broadcast_in_dim3A_127, %sin3A_178 : vector<1x2048xf32>
    %add3A_180 = arith.constant 9.99999993E-9 : f32
    %add3A_181 = vector.broadcast %add3A_180 : f32 to vector<1x2048xf32>
    %add3A_182 = arith.addf %mul3A_177, %add3A_181 : vector<1x2048xf32>
    %div3A_183 = arith.divf %mul3A_179, %add3A_182 : vector<1x2048xf32>
    %mul3A_184 = arith.constant 0.942477822 : f32
    %mul3A_185 = vector.broadcast %mul3A_184 : f32 to vector<1x2048xf32>
    %mul3A_186 = arith.mulf %mul3A_185, %sqrt3A : vector<1x2048xf32>
    %sin3A_187 = math.sin %mul3A_186 : vector<1x2048xf32>
    %mul3A_188 = arith.mulf %mul3A_125, %sin3A_187 : vector<1x2048xf32>
    %add3A_189 = arith.constant 9.99999993E-9 : f32
    %add3A_190 = vector.broadcast %add3A_189 : f32 to vector<1x2048xf32>
    %add3A_191 = arith.addf %mul3A_186, %add3A_190 : vector<1x2048xf32>
    %div3A_192 = arith.divf %mul3A_188, %add3A_191 : vector<1x2048xf32>
    %mul3A_193 = arith.constant 1.57079637 : f32
    %mul3A_194 = vector.broadcast %mul3A_193 : f32 to vector<1x2048xf32>
    %mul3A_195 = arith.mulf %mul3A_194, %sqrt3A : vector<1x2048xf32>
    %sin3A_196 = math.sin %mul3A_195 : vector<1x2048xf32>
    %mul3A_197 = arith.mulf %mul3A_125, %sin3A_196 : vector<1x2048xf32>
    %add3A_198 = arith.constant 9.99999993E-9 : f32
    %add3A_199 = vector.broadcast %add3A_198 : f32 to vector<1x2048xf32>
    %add3A_200 = arith.addf %mul3A_195, %add3A_199 : vector<1x2048xf32>
    %div3A_201 = arith.divf %mul3A_197, %add3A_200 : vector<1x2048xf32>
    %mul3A_202 = arith.constant 2.1991148 : f32
    %mul3A_203 = vector.broadcast %mul3A_202 : f32 to vector<1x2048xf32>
    %mul3A_204 = arith.mulf %mul3A_203, %sqrt3A : vector<1x2048xf32>
    %sin3A_205 = math.sin %mul3A_204 : vector<1x2048xf32>
    %mul3A_206 = arith.mulf %mul3A_125, %sin3A_205 : vector<1x2048xf32>
    %add3A_207 = arith.constant 9.99999993E-9 : f32
    %add3A_208 = vector.broadcast %add3A_207 : f32 to vector<1x2048xf32>
    %add3A_209 = arith.addf %mul3A_204, %add3A_208 : vector<1x2048xf32>
    %div3A_210 = arith.divf %mul3A_206, %add3A_209 : vector<1x2048xf32>
    %mul3A_211 = arith.constant 2.82743335 : f32
    %mul3A_212 = vector.broadcast %mul3A_211 : f32 to vector<1x2048xf32>
    %mul3A_213 = arith.mulf %mul3A_212, %sqrt3A : vector<1x2048xf32>
    %sin3A_214 = math.sin %mul3A_213 : vector<1x2048xf32>
    %mul3A_215 = arith.mulf %mul3A_125, %sin3A_214 : vector<1x2048xf32>
    %add3A_216 = arith.constant 9.99999993E-9 : f32
    %add3A_217 = vector.broadcast %add3A_216 : f32 to vector<1x2048xf32>
    %add3A_218 = arith.addf %mul3A_213, %add3A_217 : vector<1x2048xf32>
    %div3A_219 = arith.divf %mul3A_215, %add3A_218 : vector<1x2048xf32>
    %mul3A_220 = arith.constant 3.4557519 : f32
    %mul3A_221 = vector.broadcast %mul3A_220 : f32 to vector<1x2048xf32>
    %mul3A_222 = arith.mulf %mul3A_221, %sqrt3A : vector<1x2048xf32>
    %sin3A_223 = math.sin %mul3A_222 : vector<1x2048xf32>
    %mul3A_224 = arith.mulf %mul3A_125, %sin3A_223 : vector<1x2048xf32>
    %add3A_225 = arith.constant 9.99999993E-9 : f32
    %add3A_226 = vector.broadcast %add3A_225 : f32 to vector<1x2048xf32>
    %add3A_227 = arith.addf %mul3A_222, %add3A_226 : vector<1x2048xf32>
    %div3A_228 = arith.divf %mul3A_224, %add3A_227 : vector<1x2048xf32>
    %mul3A_229 = arith.constant 1.2566371 : f32
    %mul3A_230 = vector.broadcast %mul3A_229 : f32 to vector<1x2048xf32>
    %mul3A_231 = arith.mulf %mul3A_230, %sqrt3A : vector<1x2048xf32>
    %sin3A_232 = math.sin %mul3A_231 : vector<1x2048xf32>
    %mul3A_233 = arith.mulf %mul3A_128, %sin3A_232 : vector<1x2048xf32>
    %add3A_234 = arith.constant 9.99999993E-9 : f32
    %add3A_235 = vector.broadcast %add3A_234 : f32 to vector<1x2048xf32>
    %add3A_236 = arith.addf %mul3A_231, %add3A_235 : vector<1x2048xf32>
    %div3A_237 = arith.divf %mul3A_233, %add3A_236 : vector<1x2048xf32>
    %mul3A_238 = arith.constant 1.88495564 : f32
    %mul3A_239 = vector.broadcast %mul3A_238 : f32 to vector<1x2048xf32>
    %mul3A_240 = arith.mulf %mul3A_239, %sqrt3A : vector<1x2048xf32>
    %sin3A_241 = math.sin %mul3A_240 : vector<1x2048xf32>
    %mul3A_242 = arith.mulf %mul3A_128, %sin3A_241 : vector<1x2048xf32>
    %add3A_243 = arith.constant 9.99999993E-9 : f32
    %add3A_244 = vector.broadcast %add3A_243 : f32 to vector<1x2048xf32>
    %add3A_245 = arith.addf %mul3A_240, %add3A_244 : vector<1x2048xf32>
    %div3A_246 = arith.divf %mul3A_242, %add3A_245 : vector<1x2048xf32>
    %mul3A_247 = arith.constant 2.51327419 : f32
    %mul3A_248 = vector.broadcast %mul3A_247 : f32 to vector<1x2048xf32>
    %mul3A_249 = arith.mulf %mul3A_248, %sqrt3A : vector<1x2048xf32>
    %sin3A_250 = math.sin %mul3A_249 : vector<1x2048xf32>
    %mul3A_251 = arith.mulf %mul3A_128, %sin3A_250 : vector<1x2048xf32>
    %add3A_252 = arith.constant 9.99999993E-9 : f32
    %add3A_253 = vector.broadcast %add3A_252 : f32 to vector<1x2048xf32>
    %add3A_254 = arith.addf %mul3A_249, %add3A_253 : vector<1x2048xf32>
    %div3A_255 = arith.divf %mul3A_251, %add3A_254 : vector<1x2048xf32>
    %mul3A_256 = arith.constant 3.14159274 : f32
    %mul3A_257 = vector.broadcast %mul3A_256 : f32 to vector<1x2048xf32>
    %mul3A_258 = arith.mulf %mul3A_257, %sqrt3A : vector<1x2048xf32>
    %sin3A_259 = math.sin %mul3A_258 : vector<1x2048xf32>
    %mul3A_260 = arith.mulf %mul3A_128, %sin3A_259 : vector<1x2048xf32>
    %add3A_261 = arith.constant 9.99999993E-9 : f32
    %add3A_262 = vector.broadcast %add3A_261 : f32 to vector<1x2048xf32>
    %add3A_263 = arith.addf %mul3A_258, %add3A_262 : vector<1x2048xf32>
    %div3A_264 = arith.divf %mul3A_260, %add3A_263 : vector<1x2048xf32>
    %mul3A_265 = arith.constant 1.57079637 : f32
    %mul3A_266 = vector.broadcast %mul3A_265 : f32 to vector<1x2048xf32>
    %mul3A_267 = arith.mulf %mul3A_266, %sqrt3A : vector<1x2048xf32>
    %sin3A_268 = math.sin %mul3A_267 : vector<1x2048xf32>
    %mul3A_269 = arith.mulf %mul3A_130, %sin3A_268 : vector<1x2048xf32>
    %add3A_270 = arith.constant 9.99999993E-9 : f32
    %add3A_271 = vector.broadcast %add3A_270 : f32 to vector<1x2048xf32>
    %add3A_272 = arith.addf %mul3A_267, %add3A_271 : vector<1x2048xf32>
    %div3A_273 = arith.divf %mul3A_269, %add3A_272 : vector<1x2048xf32>
    %mul3A_274 = arith.constant 2.1991148 : f32
    %mul3A_275 = vector.broadcast %mul3A_274 : f32 to vector<1x2048xf32>
    %mul3A_276 = arith.mulf %mul3A_275, %sqrt3A : vector<1x2048xf32>
    %sin3A_277 = math.sin %mul3A_276 : vector<1x2048xf32>
    %mul3A_278 = arith.mulf %mul3A_130, %sin3A_277 : vector<1x2048xf32>
    %add3A_279 = arith.constant 9.99999993E-9 : f32
    %add3A_280 = vector.broadcast %add3A_279 : f32 to vector<1x2048xf32>
    %add3A_281 = arith.addf %mul3A_276, %add3A_280 : vector<1x2048xf32>
    %div3A_282 = arith.divf %mul3A_278, %add3A_281 : vector<1x2048xf32>
    %mul3A_283 = arith.constant 2.82743335 : f32
    %mul3A_284 = vector.broadcast %mul3A_283 : f32 to vector<1x2048xf32>
    %mul3A_285 = arith.mulf %mul3A_284, %sqrt3A : vector<1x2048xf32>
    %sin3A_286 = math.sin %mul3A_285 : vector<1x2048xf32>
    %mul3A_287 = arith.mulf %mul3A_130, %sin3A_286 : vector<1x2048xf32>
    %add3A_288 = arith.constant 9.99999993E-9 : f32
    %add3A_289 = vector.broadcast %add3A_288 : f32 to vector<1x2048xf32>
    %add3A_290 = arith.addf %mul3A_285, %add3A_289 : vector<1x2048xf32>
    %div3A_291 = arith.divf %mul3A_287, %add3A_290 : vector<1x2048xf32>
    %concatenate3A_292 = tpu.concatenate %div3A_138, %div3A_147, %div3A_156, %div3A_165, %div3A_174, %div3A_183, %div3A_192, %div3A_201, %div3A_210, %div3A_219, %div3A_228, %div3A_237, %div3A_246, %div3A_255, %div3A_264, %div3A_273, %div3A_282, %div3A_291 in 0 : vector<1x2048xf32>, vector<1x2048xf32>, vector<1x2048xf32>, vector<1x2048xf32>, vector<1x2048xf32>, vector<1x2048xf32>, vector<1x2048xf32>, vector<1x2048xf32>, vector<1x2048xf32>, vector<1x2048xf32>, vector<1x2048xf32>, vector<1x2048xf32>, vector<1x2048xf32>, vector<1x2048xf32>, vector<1x2048xf32>, vector<1x2048xf32>, vector<1x2048xf32>, vector<1x2048xf32> -> vector<18x2048xf32>
    %get3A_293 = arith.constant 0 : index
    %get3A_294 = arith.constant 0 : index
    %get3A_295 = vector.load %arg4[%get3A_293, %get3A_294] : memref<1x2048xi32, #tpu.memory_space<vmem>>, vector<1x2048xi32>
    %eq3A = arith.constant 0 : i32
    %eq3A_296 = vector.broadcast %eq3A : i32 to vector<1x2048xi32>
    %eq3A_297 = arith.cmpi eq, %get3A_295, %eq3A_296 : vector<1x2048xi32>
    %jit3A_298 = arith.constant 1.000000e+00 : f32
    %jit3A_299 = arith.constant 0.000000e+00 : f32
    %broadcast_in_dim3A_300 = vector.broadcast %jit3A_298 : f32 to vector<1x2048xf32>
    %broadcast_in_dim3A_301 = vector.broadcast %jit3A_299 : f32 to vector<1x2048xf32>
    %select_n3A = arith.select %eq3A_297, %broadcast_in_dim3A_300, %broadcast_in_dim3A_301 : vector<1x2048xi1>, vector<1x2048xf32>
    %eq3A_302 = arith.constant 1 : i32
    %eq3A_303 = vector.broadcast %eq3A_302 : i32 to vector<1x2048xi32>
    %eq3A_304 = arith.cmpi eq, %get3A_295, %eq3A_303 : vector<1x2048xi32>
    %jit3A_305 = arith.constant 1.000000e+00 : f32
    %jit3A_306 = arith.constant 0.000000e+00 : f32
    %broadcast_in_dim3A_307 = vector.broadcast %jit3A_305 : f32 to vector<1x2048xf32>
    %broadcast_in_dim3A_308 = vector.broadcast %jit3A_306 : f32 to vector<1x2048xf32>
    %select_n3A_309 = arith.select %eq3A_304, %broadcast_in_dim3A_307, %broadcast_in_dim3A_308 : vector<1x2048xi1>, vector<1x2048xf32>
    %eq3A_310 = arith.constant 2 : i32
    %eq3A_311 = vector.broadcast %eq3A_310 : i32 to vector<1x2048xi32>
    %eq3A_312 = arith.cmpi eq, %get3A_295, %eq3A_311 : vector<1x2048xi32>
    %jit3A_313 = arith.constant 1.000000e+00 : f32
    %jit3A_314 = arith.constant 0.000000e+00 : f32
    %broadcast_in_dim3A_315 = vector.broadcast %jit3A_313 : f32 to vector<1x2048xf32>
    %broadcast_in_dim3A_316 = vector.broadcast %jit3A_314 : f32 to vector<1x2048xf32>
    %select_n3A_317 = arith.select %eq3A_312, %broadcast_in_dim3A_315, %broadcast_in_dim3A_316 : vector<1x2048xi1>, vector<1x2048xf32>
    %eq3A_318 = arith.constant 3 : i32
    %eq3A_319 = vector.broadcast %eq3A_318 : i32 to vector<1x2048xi32>
    %eq3A_320 = arith.cmpi eq, %get3A_295, %eq3A_319 : vector<1x2048xi32>
    %jit3A_321 = arith.constant 1.000000e+00 : f32
    %jit3A_322 = arith.constant 0.000000e+00 : f32
    %broadcast_in_dim3A_323 = vector.broadcast %jit3A_321 : f32 to vector<1x2048xf32>
    %broadcast_in_dim3A_324 = vector.broadcast %jit3A_322 : f32 to vector<1x2048xf32>
    %select_n3A_325 = arith.select %eq3A_320, %broadcast_in_dim3A_323, %broadcast_in_dim3A_324 : vector<1x2048xi1>, vector<1x2048xf32>
    %eq3A_326 = arith.constant 4 : i32
    %eq3A_327 = vector.broadcast %eq3A_326 : i32 to vector<1x2048xi32>
    %eq3A_328 = arith.cmpi eq, %get3A_295, %eq3A_327 : vector<1x2048xi32>
    %jit3A_329 = arith.constant 1.000000e+00 : f32
    %jit3A_330 = arith.constant 0.000000e+00 : f32
    %broadcast_in_dim3A_331 = vector.broadcast %jit3A_329 : f32 to vector<1x2048xf32>
    %broadcast_in_dim3A_332 = vector.broadcast %jit3A_330 : f32 to vector<1x2048xf32>
    %select_n3A_333 = arith.select %eq3A_328, %broadcast_in_dim3A_331, %broadcast_in_dim3A_332 : vector<1x2048xi1>, vector<1x2048xf32>
    %eq3A_334 = arith.constant 5 : i32
    %eq3A_335 = vector.broadcast %eq3A_334 : i32 to vector<1x2048xi32>
    %eq3A_336 = arith.cmpi eq, %get3A_295, %eq3A_335 : vector<1x2048xi32>
    %jit3A_337 = arith.constant 1.000000e+00 : f32
    %jit3A_338 = arith.constant 0.000000e+00 : f32
    %broadcast_in_dim3A_339 = vector.broadcast %jit3A_337 : f32 to vector<1x2048xf32>
    %broadcast_in_dim3A_340 = vector.broadcast %jit3A_338 : f32 to vector<1x2048xf32>
    %select_n3A_341 = arith.select %eq3A_336, %broadcast_in_dim3A_339, %broadcast_in_dim3A_340 : vector<1x2048xi1>, vector<1x2048xf32>
    %eq3A_342 = arith.constant 6 : i32
    %eq3A_343 = vector.broadcast %eq3A_342 : i32 to vector<1x2048xi32>
    %eq3A_344 = arith.cmpi eq, %get3A_295, %eq3A_343 : vector<1x2048xi32>
    %jit3A_345 = arith.constant 1.000000e+00 : f32
    %jit3A_346 = arith.constant 0.000000e+00 : f32
    %broadcast_in_dim3A_347 = vector.broadcast %jit3A_345 : f32 to vector<1x2048xf32>
    %broadcast_in_dim3A_348 = vector.broadcast %jit3A_346 : f32 to vector<1x2048xf32>
    %select_n3A_349 = arith.select %eq3A_344, %broadcast_in_dim3A_347, %broadcast_in_dim3A_348 : vector<1x2048xi1>, vector<1x2048xf32>
    %eq3A_350 = arith.constant 7 : i32
    %eq3A_351 = vector.broadcast %eq3A_350 : i32 to vector<1x2048xi32>
    %eq3A_352 = arith.cmpi eq, %get3A_295, %eq3A_351 : vector<1x2048xi32>
    %jit3A_353 = arith.constant 1.000000e+00 : f32
    %jit3A_354 = arith.constant 0.000000e+00 : f32
    %broadcast_in_dim3A_355 = vector.broadcast %jit3A_353 : f32 to vector<1x2048xf32>
    %broadcast_in_dim3A_356 = vector.broadcast %jit3A_354 : f32 to vector<1x2048xf32>
    %select_n3A_357 = arith.select %eq3A_352, %broadcast_in_dim3A_355, %broadcast_in_dim3A_356 : vector<1x2048xi1>, vector<1x2048xf32>
    %concatenate3A_358 = tpu.concatenate %select_n3A, %select_n3A_309, %select_n3A_317, %select_n3A_325, %select_n3A_333, %select_n3A_341, %select_n3A_349, %select_n3A_357 in 0 : vector<1x2048xf32>, vector<1x2048xf32>, vector<1x2048xf32>, vector<1x2048xf32>, vector<1x2048xf32>, vector<1x2048xf32>, vector<1x2048xf32>, vector<1x2048xf32> -> vector<8x2048xf32>
    %convert_element_type3A = arith.truncf %concatenate3A : vector<16x2048xf32> to vector<16x2048xbf16>
    %convert_element_type3A_359 = arith.truncf %concatenate3A_292 : vector<18x2048xf32> to vector<18x2048xbf16>
    %convert_element_type3A_360 = arith.truncf %concatenate3A_358 : vector<8x2048xf32> to vector<8x2048xbf16>
    %get3A_361 = arith.constant 0 : index
    %get3A_362 = arith.constant 0 : index
    %get3A_363 = vector.load %arg6[%get3A_361, %get3A_362] : memref<16x256xbf16, #tpu.memory_space<vmem>>, vector<16x256xbf16>
    %dot_general3A = arith.constant dense<0.000000e+00> : vector<2048x256xf32>
    %dot_general3A_364 = tpu.matmul %convert_element_type3A, %get3A_363, %dot_general3A {dimension_numbers = #tpu.dot_dimension_numbers<[0], [0], [1], [1], [0, 1, 1, 1], [], []>, transpose_lhs_hint = false} : vector<16x2048xbf16>, vector<16x256xbf16>, vector<2048x256xf32> -> vector<2048x256xf32>
    %get3A_365 = arith.constant 0 : index
    %get3A_366 = arith.constant 0 : index
    %get3A_367 = vector.load %arg7[%get3A_365, %get3A_366] : memref<18x256xbf16, #tpu.memory_space<vmem>>, vector<18x256xbf16>
    %dot_general3A_368 = arith.constant dense<0.000000e+00> : vector<2048x256xf32>
    %dot_general3A_369 = tpu.matmul %convert_element_type3A_359, %get3A_367, %dot_general3A_368 {dimension_numbers = #tpu.dot_dimension_numbers<[0], [0], [1], [1], [0, 1, 1, 1], [], []>, transpose_lhs_hint = false} : vector<18x2048xbf16>, vector<18x256xbf16>, vector<2048x256xf32> -> vector<2048x256xf32>
    %get3A_370 = arith.constant 0 : index
    %get3A_371 = arith.constant 0 : index
    %get3A_372 = vector.load %arg5[%get3A_370, %get3A_371] : memref<8x4xf32, #tpu.memory_space<vmem>>, vector<8x4xf32>
    %get3A_373 = arith.constant 0 : index
    %get3A_374 = arith.constant 0 : index
    %get3A_375 = vector.load %arg8[%get3A_373, %get3A_374] : memref<4x256xf32, #tpu.memory_space<vmem>>, vector<4x256xf32>
    %dot_general3A_376 = arith.constant dense<0.000000e+00> : vector<8x256xf32>
    %dot_general3A_377 = tpu.matmul %get3A_372, %get3A_375, %dot_general3A_376 {dimension_numbers = #tpu.dot_dimension_numbers<[1], [0], [0], [1], [0, 0, 1, 1], [], []>, precision = #tpu.contract_precision<fp32>, transpose_lhs_hint = false} : vector<8x4xf32>, vector<4x256xf32>, vector<8x256xf32> -> vector<8x256xf32>
    %convert_element_type3A_378 = arith.truncf %dot_general3A_377 : vector<8x256xf32> to vector<8x256xbf16>
    %dot_general3A_379 = arith.constant dense<0.000000e+00> : vector<2048x256xf32>
    %dot_general3A_380 = tpu.matmul %convert_element_type3A_360, %convert_element_type3A_378, %dot_general3A_379 {dimension_numbers = #tpu.dot_dimension_numbers<[0], [0], [1], [1], [0, 1, 1, 1], [], []>, transpose_lhs_hint = false} : vector<8x2048xbf16>, vector<8x256xbf16>, vector<2048x256xf32> -> vector<2048x256xf32>
    %mul3A_381 = arith.mulf %dot_general3A_364, %dot_general3A_369 : vector<2048x256xf32>
    %mul3A_382 = arith.mulf %mul3A_381, %dot_general3A_380 : vector<2048x256xf32>
    %swap3A = arith.constant 0 : index
    %swap3A_383 = arith.constant 0 : index
    %swap3A_384 = vector.load %arg9[%swap3A, %swap3A_383] : memref<2048x256xf32, #tpu.memory_space<vmem>>, vector<2048x256xf32>
    tpu.vector_store %arg9[%swap3A, %swap3A_383], %mul3A_382 {strides = array<i32>} : memref<2048x256xf32, #tpu.memory_space<vmem>>, vector<2048x256xf32>,
    return
  }
  func.func @transform_0(%arg0: i32) -> (i32, i32) {
    %c0_i32 = arith.constant 0 : i32
    %c0_i32_0 = arith.constant 0 : i32
    return %c0_i32, %arg0 : i32, i32
  }
  func.func @transform_1(%arg0: i32) -> (i32, i32) {
    %c0_i32 = arith.constant 0 : i32
    %c0_i32_0 = arith.constant 0 : i32
    return %c0_i32, %arg0 : i32, i32
  }
  func.func @transform_2(%arg0: i32) -> (i32, i32) {
    %c0_i32 = arith.constant 0 : i32
    %c0_i32_0 = arith.constant 0 : i32
    return %c0_i32, %arg0 : i32, i32
  }
  func.func @transform_3(%arg0: i32) -> (i32, i32) {
    %c0_i32 = arith.constant 0 : i32
    %c0_i32_0 = arith.constant 0 : i32
    return %c0_i32, %arg0 : i32, i32
  }
  func.func @transform_4(%arg0: i32) -> (i32, i32) {
    %c0_i32 = arith.constant 0 : i32
    %c0_i32_0 = arith.constant 0 : i32
    %c0_i32_1 = arith.constant 0 : i32
    return %c0_i32, %c0_i32_0 : i32, i32
  }
  func.func @transform_5(%arg0: i32) -> (i32, i32) {
    %c0_i32 = arith.constant 0 : i32
    %c0_i32_0 = arith.constant 0 : i32
    %c0_i32_1 = arith.constant 0 : i32
    return %c0_i32, %c0_i32_0 : i32, i32
  }
  func.func @transform_6(%arg0: i32) -> (i32, i32) {
    %c0_i32 = arith.constant 0 : i32
    %c0_i32_0 = arith.constant 0 : i32
    %c0_i32_1 = arith.constant 0 : i32
    return %c0_i32, %c0_i32_0 : i32, i32
  }
  func.func @transform_7(%arg0: i32) -> (i32, i32) {
    %c0_i32 = arith.constant 0 : i32
    %c0_i32_0 = arith.constant 0 : i32
    %c0_i32_1 = arith.constant 0 : i32
    return %c0_i32, %c0_i32_0 : i32, i32
  }
  func.func @transform_8(%arg0: i32) -> (i32, i32) {
    %c0_i32 = arith.constant 0 : i32
    %c0_i32_0 = arith.constant 0 : i32
    return %arg0, %c0_i32 : i32, i32
  }
}

</mosaic_0001>

<sc_bundles>
// kernel: kernel.4.cloned.1.call-start
scs
__scs_entry_jumppad:
0x0: {  	(pc) =	sbr.rel $0x88, $3  }
0x1: {  	(tag) =	ssettag $0x0;
	lr =	simm.s32 $0x1  }
0x2: {  	[smem:$0x3F9D] =	sst lr;
	_ =	strace $0xD0000000  }
0x3: {  	_ = 	snop  }
0x4: {  	_ = 	snop  }
0x5: {  	_ = 	snop  }
0x6: {  	_ = 	snop  }
0x7: {  	_ = 	snop  }
__scs_overlays_trampoline_lowered:
0x8: {  	[smem:$0x3FAC] =	sst s0  }
0x9: {  	[smem:$0x3FAD] =	sst s1  }
0xa: {  	[smem:$0x3FAE] =	sst s2  }
0xb: {  	[smem:$0x3FAF] =	sst s3  }
0xc: {  	[smem:$0x3FB0] =	sst s4  }
0xd: {  	[smem:$0x3FB1] =	sst s5  }
0xe: {  	[smem:$0x3FB2] =	sst s6  }
0xf: {  	[smem:$0x3FB3] =	sst s7  }
0x10: {  	[smem:$0x3FB4] =	sst s8  }
0x11: {  	[smem:$0x3FB5] =	sst s9;
	s0 =	simm.s32 @!p0 $0x0  }
0x12: {  	s1 =	sld [smem:$0x3F9B];
	s0 =	simm.s32 @p0 $0x1  }
0x13: {  	[smem:$0x3FB6] =	sst s0;
	s0 =	simm.s32 @!p1 $0x0  }
0x14: {  	s2 =	sld [smem:$0x3F9A];
	s0 =	simm.s32 @p1 $0x1  }
0x15: {  	[smem:$0x3FB7] =	sst s0;
	s0 =	simm.s32 @!p2 $0x0  }
0x16: {  	s3 =	sld [smem:$0x3FDB];
	s0 =	simm.s32 @p2 $0x1  }
0x17: {  	s4 =	simm.s32 $0x1BF5;
	[smem:$0x3FB9] =	sst s0  }
0x18: {  	s0 =	sld [smem:$0x3F9C];
	_ =	swait.ge [sflag:s4], $0x0  }
0x19: {  	s7 =	sld [smem:$0x3F9D]  }
0x1a: {  	s8 =	sadd.s32 $0xFFFFE003, lr  }
0x1b: {  	s9 =	sadd.s32 $0xFFFFFEF7, lr;
	s5 =	simm.s32 $0xFFFFFFFF;
	p2 =	slt.u32 s8, $0xFFFFF086  }
0x1c: {  	p1 =	slt.u32 s9, $0xF7A;
	s5 =	simm.s32 @!p2 $0x0  }
0x1d: {  	s5 =	simm.s32 @p1 $0x1;
	p0 =	seq.s32 s7, s2  }
0x1e: {  	s7 =	smul.u32 @!p0 $0xF7A, s2;
	p2 =	seq.s32 @!p0 s5, $0x0  }
0x1f: {  	s9 =	smul.u32 $0xF7A, s1;
	s8 =	simm.s32 @!p0 $0x1BF5;
	p2 =	por !p2, p0  }
0x20: {  	[sflag:s8] =	ssyncset.s32 @!p0 $0xFFFFF086;
	s6 =	sadd.s32 @!p0 s3, s7;
	s7 =	simm.s32 @!p0 $0x108  }
0x21: {  	s3 =	sadd.s32 s3, s9;
	s6 =	sadd.s32 @!p0 $0x88, s6;
	s7 =	simm.s32 @p2 $0x1082  }
0x22: {  	[simem:s7], [sflag:s8] =	dma.local @!p0 [hbm:s6], $0xF7A  }
0x23: {  	s9 =	sor.u32 $0xD0000000, s2;
	s6 =	simm.s32 $0x108;
	_ =	swait.ge @!p0 [sflag:s8], $0x0  }
0x24: {  	s3 =	sadd.s32 $0x88, s3;
	s6 =	simm.s32 @!p1 $0x1082;
	[sflag:s4] =	ssyncset.s32 $0xFFFFF086  }
0x25: {  	[simem:s6], [sflag:s4] =	dma.local [hbm:s3], $0xF7A  }
0x26: {  	[smem:$0x3F9D] =	sst s1;
	(tag) =	ssettag s2;
	_ =	strace s9  }
0x27: {  	s1 =	sld [smem:$0x3FAD]  }
0x28: {  	s2 =	sld [smem:$0x3FAE]  }
0x29: {  	s4 =	sld [smem:$0x3FB0]  }
0x2a: {  	p0 =	seq.s32 s5, $0x0;
	s5 =	sld [smem:$0x3FB1]  }
0x2b: {  	s6 =	sld [smem:$0x3FB2]  }
0x2c: {  	s7 =	sld [smem:$0x3FB3]  }
0x2d: {  	s3 =	simm.s32 $0x108;
	s8 =	sld [smem:$0x3FB4]  }
0x2e: {  	s3 =	simm.s32 @!p0 $0x1082;
	s9 =	sld [smem:$0x3FB5]  }
0x2f: {  	lr =	sadd.s32 s0, s3;
	s0 =	sld [smem:$0x3FAC]  }
0x30: {  	s3 =	sld [smem:$0x3FAF]  }
0x31: {  	[smem:$0x3FB8] =	sst s10  }
0x32: {  	s10 =	sld [smem:$0x3FB6];
	_ =	sdelay $0x3  }
0x33: {  	p0 =	seq.s32 s10, $0x1;
	s10 =	sld [smem:$0x3FB8];
	_ =	sdelay $0x3  }
0x34: {  	[smem:$0x3FB8] =	sst s10  }
0x35: {  	s10 =	sld [smem:$0x3FB7];
	_ =	sdelay $0x3  }
0x36: {  	p1 =	seq.s32 s10, $0x1;
	s10 =	sld [smem:$0x3FB8];
	_ =	sdelay $0x3  }
0x37: {  	[smem:$0x3FB8] =	sst s10  }
0x38: {  	s10 =	sld [smem:$0x3FB9]  }
0x39: {  	_ = 	snop;
	(pc) =	sbr.ind lr, $3  }
0x3a: {  	_ = 	snop  }
0x3b: {  	_ = 	snop  }
0x3c: {  	p2 =	seq.s32 s10, $0x1;
	s10 =	sld [smem:$0x3FB8]  }
0x3d: {  	_ =	shalt  }
0x3e: {  	_ =	shalt  }
0x3f: {  	_ =	shalt  }
0x40: {  	_ =	shalt  }
0x41: {  	_ =	shalt  }
0x42: {  	_ =	shalt  }
0x43: {  	_ =	shalt  }
0x44: {  	_ =	shalt  }
0x45: {  	_ =	shalt  }
0x46: {  	_ =	shalt  }
0x47: {  	_ =	shalt  }
0x48: {  	_ =	shalt  }
0x49: {  	_ =	shalt  }
0x4a: {  	_ =	shalt  }
0x4b: {  	_ =	shalt  }
0x4c: {  	_ =	shalt  }
0x4d: {  	_ =	shalt  }
0x4e: {  	_ =	shalt  }
0x4f: {  	_ =	shalt  }
0x50: {  	_ =	shalt  }
0x51: {  	_ =	shalt  }
0x52: {  	_ =	shalt  }
0x53: {  	_ =	shalt  }
0x54: {  	_ =	shalt  }
0x55: {  	_ =	shalt  }
0x56: {  	_ =	shalt  }
0x57: {  	_ =	shalt  }
0x58: {  	_ =	shalt  }
0x59: {  	_ =	shalt  }
0x5a: {  	_ =	shalt  }
0x5b: {  	_ =	shalt  }
0x5c: {  	_ =	shalt  }
0x5d: {  	_ =	shalt  }
0x5e: {  	_ =	shalt  }
0x5f: {  	_ =	shalt  }
0x60: {  	_ =	shalt  }
0x61: {  	_ =	shalt  }
0x62: {  	_ =	shalt  }
0x63: {  	_ =	shalt  }
0x64: {  	_ =	shalt  }
0x65: {  	_ =	shalt  }
0x66: {  	_ =	shalt  }
0x67: {  	_ =	shalt  }
0x68: {  	_ =	shalt  }
0x69: {  	_ =	shalt  }
0x6a: {  	_ =	shalt  }
0x6b: {  	_ =	shalt  }
0x6c: {  	_ =	shalt  }
0x6d: {  	_ =	shalt  }
0x6e: {  	_ =	shalt  }
0x6f: {  	_ =	shalt  }
0x70: {  	_ =	shalt  }
0x71: {  	_ =	shalt  }
0x72: {  	_ =	shalt  }
0x73: {  	_ =	shalt  }
0x74: {  	_ =	shalt  }
0x75: {  	_ =	shalt  }
0x76: {  	_ =	shalt  }
0x77: {  	_ =	shalt  }
0x78: {  	_ =	shalt  }
0x79: {  	_ =	shalt  }
0x7a: {  	_ =	shalt  }
0x7b: {  	_ =	shalt  }
0x7c: {  	_ =	shalt  }
0x7d: {  	_ =	shalt  }
0x7e: {  	_ =	shalt  }
0x7f: {  	_ =	shalt  }
0x80: {  	_ =	shalt  }
0x81: {  	_ =	shalt  }
0x82: {  	_ =	shalt  }
0x83: {  	_ =	shalt  }
0x84: {  	_ =	shalt  }
0x85: {  	_ =	shalt  }
0x86: {  	_ =	shalt  }
0x87: {  	_ =	shalt  }
.Lfunc_end0:
.L_simem_size_0:
called_computation_lowered:
.L_overlay_start_0:
0x88: {  	s2 =	sld [smem:$0x3FD9]  }
0x89: {  	s3 =	sld [smem:$0x3FFE];
	_ =	sdelay $0x1  }
0x8a: {  	s1 =	srdreg.scid  }
0x8b: {  	s0 =	sand.u32 $0x1, s1  }
0x8c: {  	s14 =	sshll.u32 s0, $0xA;
	s2 =	sadd.s32 s3, s2  }
0x8d: {  	s2 =	sadd.s32 s2, s14  }
0x8e: {  	[smem:$0x3FC4] =	sst s2  }
0x8f: {  	_ = 	snop  }
0x90: {  	s2 =	sld [smem:$0x3FD0];
	_ =	sdelay $0x2  }
0x91: {  	s15 =	simm.s32 $0xA;
	s4 =	simm.s32 $0x10  }
0x92: {  	[smem:s4], [sflag:s15] =	dma.local [hbm:s2], $0x1  }
0x93: {  	_ =	swait.eq [sflag:s15], $0x1  }
0x94: {  	s16 =	sld [smem:$0x10];
	[sflag:s15] =	ssyncset.done $0x0  }
0x95: {  	s17 =	sld [smem:$0x11];
	[sflag:s15] =	ssyncadd.s32 $0xFFFFFFFF  }
0x96: {  	s18 =	sld [smem:$0x12];
	(tm) =	ssettm $0x1  }
0x97: {  	s5 =	sld [smem:$0x3FFB];
	_ =	sdelay $0x3  }
0x98: {  	_ =	strace s5  }
0x99: {  	s5 =	sld [smem:$0x3FFC];
	_ =	sdelay $0x3  }
0x9a: {  	_ =	strace s5  }
0x9b: {  	s5 =	sld [smem:$0x3FFD];
	_ =	sdelay $0x3  }
0x9c: {  	_ =	strace s5  }
0x9d: {  	_ =	strace $0x8FFFFFFF  }
0x9e: {  	s19 =	sld [smem:$0x3FDB];
	_ =	sdelay $0x1  }
0x9f: {  	s6 =	simm.s32 $_scs_section_size  }
0xa0: {  	s7 =	simm.s32 $_size__tile_overlayer_lowered;
	s8 =	simm.s32 $_tile_overlayer_lowered  }
0xa1: {  	s22 =	simm.s32 $0x1BFF;
	s21 =	sshll.u32 s8, $0x1;
	s5 =	sadd.s32 s6, s19  }
0xa2: {  	s9 =	simm.s32 $0x0;
	s20 =	sshll.u32 s7, $0x1;
	s7 =	sadd.s32 s21, s5  }
0xa3: {  	[timem:s9], [sflag:s22] =	dma.local [hbm:s7], s20  }
0xa4: {  	_ =	swait.ge [sflag:s22], s20  }
0xa5: {  	s6 =	ssub.s32 $0x0, s20;
	[sflag:s22] =	ssyncset.done $0x0  }
0xa6: {  	[sflag:s22] =	ssyncadd.s32 s6;
	_ =	sdelay $0x1  }
0xa7: {  	s23 =	simm.s32 $0x1B8B  }
0xa8: {  	_ =	swait.ge [sflag:s23], $0x1  }
0xa9: {  	[sflag:s23] =	ssyncset.done $0x0  }
0xaa: {  	s25 =	simm.s32 $0x1B8E;
	s24 =	sld [smem:$0x3FFE];
	[sflag:s23] =	ssyncadd.s32 $0xFFFFFFFF  }
0xab: {  	s26 =	simm.s32 $execute0_lowered;
	[smem:$0x3FD2] =	sst s25  }
0xac: {  	s7 =	sshll.u32 s26, $0x1;
	_ =	strace $0x80000046;
	[dreg:$0x1] =	wrdreg $0xFFFFFFFF  }
0xad: {  	s28 =	simm.s32 $_size_execute0_lowered;
	s5 =	sadd.s32 s5, s7;
	[dreg:$0x0] =	wrdreg $0x0  }
0xae: {  	s7 =	sshll.u32 s28, $0x1;
	[dreg:$0x2] =	wrdreg s5  }
0xaf: {  	[dreg:$0x3] =	wrdreg s7  }
0xb0: {  	[dreg:$0x4] =	wrdreg $0xC0  }
0xb1: {  	_ =	task [dreg:s9], $0x5FFFF  }
0xb2: {  	[dreg:$0x1] =	wrdreg $0xFFFFFFFF  }
0xb3: {  	[dreg:$0x0] =	wrdreg $0x60  }
0xb4: {  	[dreg:$0x2] =	wrdreg s24  }
0xb5: {  	[dreg:$0x3] =	wrdreg s17  }
0xb6: {  	[dreg:$0x4] =	wrdreg s18  }
0xb7: {  	[dreg:$0x5] =	wrdreg s16  }
0xb8: {  	[dreg:$0x6] =	wrdreg $0xA8000  }
0xb9: {  	[dreg:$0x7] =	wrdreg $0x9  }
0xba: {  	_ =	task.clear_ibuf [dreg:s9], $0x8FFFF;
	_ =	strace $0x90000046  }
0xbb: {  	s29 =	simm.s32 $0x9;
	_ =	strace $0x80000048  }
0xbc: {  	_ =	swait.ge [sflag:s29], $0x1  }
0xbd: {  	[sflag:s29] =	ssyncadd.s32 $0xFFFFFFFF  }
0xbe: {  	_ =	strace $0x90000048  }
0xbf: {  	_ =	sfence  }
0xc0: {  	s30 =	sld [smem:$0x0];
	_ =	sdelay $0x2  }
0xc1: {  	s31 =	sshll.u32 s1, $0xD;
	s1 =	sshrl.u32 s1, $0x2  }
0xc2: {  	s3 =	sand.u32 $0x4000, s31;
	s1 =	sadd.s32 s1, s30  }
0xc3: {  	s0 =	sor.u32 s3, s0;
	s1 =	sshll.u32 s1, $0x11  }
0xc4: {  	s0 =	sor.u32 s1, s0  }
0xc5: {  	s0 =	sadd.s32 $0x8F2B, s0  }
0xc6: {  	[sflag:s0] =	ssyncadd.remote.s32 $0x1  }
0xc7: {  	_ =	sfence.sel $0xFFFF  }
0xc8: {  	[dreg:$0x0] =	wrdreg $0xFFFFFFFF;
	(pc) =	sbr.abs _section_cstart, $3  }
0xc9: {  	[dreg:$0x1] =	wrdreg $0xFFFFFFFF  }
0xca: {  	_ =	task.clear_ibuf [dreg:s9], $0x2FFFF;
	_ =	strace $0x9FFFFFFF  }
0xcb: {  	(tm) =	ssettm $0x7FFFFFFF  }
tec
execute0_lowered:
.L_overlay_start_1:
0x0: {  	(tag) =	ssettag $0x1  }
0x1: {  	s0 =	rddreg [dreg:$0x0]  }
0x2: {  	s1 =	rddreg [dreg:$0x1]  }
0x3: {  	s2 =	rddreg [dreg:$0x3]  }
0x4: {  	s3 =	rddreg [dreg:$0x4];
	s20 =	stileid.u32;
	s4 =	simm.s32 $0x0  }
0x5: {  	s5 =	srdreg.scid;
	s22 =	simm.s32 $0x400;
	s6 =	smul.u32 $0x4E000, s20  }
0x6: {  	s28 =	simm.s32 $0x2;
	[smem:$0x7FF] =	sst s4;
	s11 =	smul.u32 $0x271000, s20  }
0x7: {  	s15 =	sand.u32 $0x1, s5;
	s5 =	sadd.s32 $0xC00, s0;
	s12 =	smul.u32 $0x500, s20  }
0x8: {  	s17 =	smul.u32 $0x27000, s20;
	p0 =	sne.s32 s20, $0xF;
	s20 =	simm.s32 $0x3  }
0x9: {  	_ =	strace $0x80000047;
	s7 =	ssub.s32 $0x2, s15;
	s16 =	sshll.u32 s15, $0xA  }
0xa: {  	s26 =	sshll.u32 s15, $0x7;
	s6 =	sshrl.u32 s6, $0x2;
	s23 =	sshrl.u32 s7, $0x1  }
0xb: {  	s19 =	sor.u32 s16, s11;
	s11 =	sadd.s32 $0x138000, s3;
	s12 =	sadd.s32 s1, s12  }
0xc: {  	s25 =	sor.u32 s16, s17;
	s30 =	sadd.s32 s26, s2;
	s26 =	simm.s32 $0x80  }
0xd: {  	s6 =	sadd.s32 s6, s3;
	s0 =	ssub.s32 s7, s23;
	s13 =	sadd.s32 $0x8000, s19  }
0xe: {  	s24 =	sshrl.u32 s19, $0x3;
	s1 =	sshrl.u32 s25, $0x3;
	s29 =	sadd.s32 $0x18000, s19  }
0xf: {  	s16 =	sadd.s32 $0x4E000, s30;
	s19 =	sadd.s32 $0x10000, s19;
	s23 =	simm.s32 $0x800  }
0x10: {  	s25 =	simm.s32 $0x1;
	s7 =	sadd.s32 $0x4000, s6;
	s8 =	sadd.s32 $0x8000, s6  }
0x11: {  	s9 =	sadd.s32 $0xC000, s6;
	s10 =	sadd.s32 $0x10000, s6;
	s14 =	sshrl.u32 s13, $0x3  }
0x12: {  	s13 =	sadd.s32 s5, s24;
	s15 =	sadd.s32 s2, s1;
	s31 =	sshrl.u32 s29, $0x3  }
0x13: {  	s17 =	smax.u32 s0, $0x1;
	s24 =	simm.s32 $0x4000;
	s0 =	simm.s32 $0x100  }
0x14: {  	s2 =	simm.s32 $0x0;
	s14 =	sadd.s32 s5, s14;
	s18 =	sadd.s32 s31, s5  }
.LBB2_1:
0x15: {  	s1 =	rddreg [dreg:$0x2]  }
0x16: {  	[tilespmem:s4], [sflag:$0x3] =	stream.linear.gather [hbm4b:s1+s4], $0x4000, $0x38;
	[tilespmem:$0x1E100] =	vst v63  }
0x17: {  	_ =	swait.ge [sflag:s20], $0x4000  }
0x18: {  	[sflag:s20] =	ssyncset.done $0x0  }
0x19: {  	[sflag:s20] =	ssyncadd.s32 $0xFFFFC000  }
0x1a: {  	[spmem:s6] =	stream.linear.scatter [tilespmem:s4], [sflag:$0x3], $0x4000, $0x38;
	[tilespmem:$0x1E100] =	vst v63  }
0x1b: {  	_ =	swait.ge [sflag:s20], $0x4000  }
0x1c: {  	[sflag:s20] =	ssyncset.done $0x0  }
0x1d: {  	[sflag:s20] =	ssyncadd.s32 $0xFFFFC000  }
0x1e: {  	[spmem:s7] =	stream.linear.scatter [tilespmem:s4], [sflag:$0x3], $0x4000, $0x38;
	[tilespmem:$0x1E100] =	vst v63  }
0x1f: {  	_ =	swait.ge [sflag:s20], $0x4000  }
0x20: {  	[sflag:s20] =	ssyncset.done $0x0  }
0x21: {  	[sflag:s20] =	ssyncadd.s32 $0xFFFFC000  }
0x22: {  	[spmem:s8] =	stream.linear.scatter [tilespmem:s4], [sflag:$0x3], $0x4000, $0x38;
	[tilespmem:$0x1E100] =	vst v63  }
0x23: {  	_ =	swait.ge [sflag:s20], $0x4000  }
0x24: {  	[sflag:s20] =	ssyncset.done $0x0  }
0x25: {  	[sflag:s20] =	ssyncadd.s32 $0xFFFFC000  }
0x26: {  	[spmem:s9] =	stream.linear.scatter [tilespmem:s4], [sflag:$0x3], $0x4000, $0x38;
	[tilespmem:$0x1E100] =	vst v63  }
0x27: {  	_ =	swait.ge [sflag:s20], $0x4000  }
0x28: {  	[sflag:s20] =	ssyncset.done $0x0  }
0x29: {  	[sflag:s20] =	ssyncadd.s32 $0xFFFFC000  }
0x2a: {  	[spmem:s10] =	stream.linear.scatter [tilespmem:s4], [sflag:$0x3], $0x3800, $0x38;
	[tilespmem:$0x1E100] =	vst v63  }
0x2b: {  	_ =	swait.ge [sflag:s20], $0x3800  }
0x2c: {  	[sflag:s20] =	ssyncset.done $0x0  }
0x2d: {  	s1 =	simm.s32 @!p0 $0x0;
	[sflag:s20] =	ssyncadd.s32 $0xFFFFC800  }
0x2e: {  	[spmem:s11] =	stream.linear.scatter @!p0 [tilespmem:s1], [sflag:$0x3], $0x1000, $0x38;
	[tilespmem:$0x1E100] =	vst v63  }
0x2f: {  	s1 =	simm.s32 @!p0 $0x3  }
0x30: {  	_ =	swait.ge @!p0 [sflag:s1], $0x1000  }
0x31: {  	[sflag:s1] =	ssyncset.done @!p0 $0x0  }
0x32: {  	[sflag:s1] =	ssyncadd.s32 @!p0 $0xFFFFF000  }
0x33: {  	s21 =	simm.s32 $0x8000;
	[bflag:$0x0] =	sbarrier.arrive $0xFFFF  }
0x34: {  	[tilespmem:s21], [sflag:$0x3] =	stream.linear.gather [hbm4b:s12+s4], $0x2800, $0x38;
	[tilespmem:$0x1E100] =	vst v63  }
0x35: {  	_ =	swait.ge [sflag:s20], $0x2800  }
0x36: {  	[sflag:s20] =	ssyncset.done $0x0  }
0x37: {  	[sflag:s20] =	ssyncadd.s32 $0xFFFFD800  }
0x38: {  	[tilespmem:s4], [sflag:$0x1] =	stream.strided.gather [hbm4b:s13+s22], $0x4000, s23, s22, $0x38;
	[tilespmem:$0x1E100] =	vst v63  }
0x39: {  	_ = 	snop  }
0x3a: {  	[tilespmem:s24], [sflag:$0x2] =	stream.strided.gather [hbm4b:s14+s22], $0x4000, s23, s22, $0x38;
	[tilespmem:$0x1E100] =	vst v63  }
0x3b: {  	_ =	swait.ge [sflag:s25], $0x4000  }
0x3c: {  	[sflag:s25] =	ssyncset.done $0x0  }
0x3d: {  	s31 =	simm.s32 $0x8000;
	[sflag:s25] =	ssyncadd.s32 $0xFFFFC000  }
0x3e: {  	[spmem:s3] =	stream.indirect.scatter.add.f32 [tilespmem:s4], [sflag:$0x3], $0x80, s31, s26, $0xb8;
	[tilespmem:$0x1E100] =	vst v63  }
0x3f: {  	_ =	swait.ge [sflag:s20], $0x4000  }
0x40: {  	s21 =	sshrl.u32 s19, $0x3;
	[sflag:s20] =	ssyncset.done $0x0  }
0x41: {  	s1 =	sadd.s32 s5, s21;
	[sflag:s20] =	ssyncadd.s32 $0xFFFFC000  }
0x42: {  	[tilespmem:s4], [sflag:$0x1] =	stream.strided.gather [hbm4b:s1+s22], $0x4000, s23, s22, $0x38;
	[tilespmem:$0x1E100] =	vst v63  }
0x43: {  	_ =	swait.ge [sflag:s28], $0x4000  }
0x44: {  	[sflag:s28] =	ssyncset.done $0x0  }
0x45: {  	s31 =	simm.s32 $0x8080;
	[sflag:s28] =	ssyncadd.s32 $0xFFFFC000  }
0x46: {  	[spmem:s3] =	stream.indirect.scatter.add.f32 [tilespmem:s24], [sflag:$0x3], $0x80, s31, s26, $0xb8;
	[tilespmem:$0x1E100] =	vst v63  }
0x47: {  	_ =	swait.ge [sflag:s20], $0x4000  }
0x48: {  	s30 =	sadd.s32 $0x0, s18;
	s29 =	simm.s32 $0x8180;
	[sflag:s20] =	ssyncset.done $0x0  }
0x49: {  	s21 =	sadd.s32 $0x10000, s19;
	s1 =	simm.s32 $0x2000;
	[sflag:s20] =	ssyncadd.s32 $0xFFFFC000  }
.LBB2_2:
0x4a: {  	[tilespmem:s24], [sflag:$0x2] =	stream.strided.gather [hbm4b:s30+s22], $0x4000, s23, s22, $0x38;
	[tilespmem:$0x1E100] =	vst v63  }
0x4b: {  	s30 =	smov.u32 s1  }
0x4c: {  	p1 =	sne.s32 s1, $0x4C000;
	s1 =	sadd.s32 $0x2000, s1;
	_ =	swait.ge [sflag:s25], $0x4000  }
0x4d: {  	[sflag:s25] =	ssyncset.done $0x0  }
0x4e: {  	s31 =	sadd.s32 $0xFFFFFF80, s29;
	[sflag:s25] =	ssyncadd.s32 $0xFFFFC000  }
0x4f: {  	[spmem:s3] =	stream.indirect.scatter.add.f32 [tilespmem:s4], [sflag:$0x3], $0x80, s31, s26, $0xb8;
	[tilespmem:$0x1E100] =	vst v63  }
0x50: {  	_ =	swait.ge [sflag:s20], $0x4000  }
0x51: {  	s31 =	sshrl.u32 s21, $0x3;
	[sflag:s20] =	ssyncset.done $0x0  }
0x52: {  	s31 =	sadd.s32 s5, s31;
	[sflag:s20] =	ssyncadd.s32 $0xFFFFC000  }
0x53: {  	[tilespmem:s4], [sflag:$0x1] =	stream.strided.gather [hbm4b:s31+s22], $0x4000, s23, s22, $0x38;
	[tilespmem:$0x1E100] =	vst v63  }
0x54: {  	_ =	swait.ge [sflag:s28], $0x4000  }
0x55: {  	[sflag:s28] =	ssyncset.done $0x0  }
.Ltmp0:
0x56: {  	[sflag:s28] =	ssyncadd.s32 $0xFFFFC000;
	(pc) =	sbr.rel @p1 .LBB2_2-.Ltmp0, $4  }
0x57: {  	[spmem:s3] =	stream.indirect.scatter.add.f32 [tilespmem:s24], [sflag:$0x3], $0x80, s29, s26, $0xb8;
	[tilespmem:$0x1E100] =	vst v63  }
0x58: {  	_ =	swait.ge [sflag:s20], $0x4000  }
0x59: {  	s21 =	sadd.s32 $0x10000, s21;
	[sflag:s20] =	ssyncset.done $0x0  }
0x5a: {  	s30 =	sadd.s32 s30, s18;
	s29 =	sadd.s32 $0x100, s29;
	[sflag:s20] =	ssyncadd.s32 $0xFFFFC000  }
0x5b: {  	[tilespmem:s24], [sflag:$0x2] =	stream.strided.gather [hbm4b:s30+s22], $0x4000, s23, s22, $0x38;
	[tilespmem:$0x1E100] =	vst v63  }
0x5c: {  	_ =	swait.ge [sflag:s25], $0x4000  }
0x5d: {  	[sflag:s25] =	ssyncset.done $0x0  }
0x5e: {  	s1 =	simm.s32 $0xA700;
	[sflag:s25] =	ssyncadd.s32 $0xFFFFC000  }
0x5f: {  	[spmem:s3] =	stream.indirect.scatter.add.f32 [tilespmem:s4], [sflag:$0x3], $0x80, s1, s26, $0xb8;
	[tilespmem:$0x1E100] =	vst v63  }
0x60: {  	_ =	swait.ge [sflag:s20], $0x4000  }
0x61: {  	[sflag:s20] =	ssyncset.done $0x0  }
0x62: {  	[sflag:s20] =	ssyncadd.s32 $0xFFFFC000  }
0x63: {  	_ =	swait.ge [sflag:s28], $0x4000  }
0x64: {  	[sflag:s28] =	ssyncset.done $0x0  }
0x65: {  	s30 =	simm.s32 $0xA780;
	[sflag:s28] =	ssyncadd.s32 $0xFFFFC000  }
0x66: {  	[spmem:s3] =	stream.indirect.scatter.add.f32 [tilespmem:s24], [sflag:$0x3], $0x80, s30, s26, $0xb8;
	[tilespmem:$0x1E100] =	vst v63  }
0x67: {  	_ =	swait.ge [sflag:s20], $0x4000  }
0x68: {  	s31 =	stileid.u32;
	s21 =	sshrl.u32 s6, $0x3;
	[sflag:s20] =	ssyncset.done $0x0  }
0x69: {  	s29 =	simm.s32 $0x8;
	s1 =	sshll.u32 s31, $0x6;
	[sflag:s20] =	ssyncadd.s32 $0xFFFFC000  }
0x6a: {  	s2 =	sadd.s32 $0x1, s2;
	s1 =	sor.u32 $0x1C03, s1;
	[bflag:$0x0] =	sbarrier.arrive $0xFFFF  }
0x6b: {  	[hbm:s15@s0], [sflag:s1] =	dma.strided [spmem:s21@s26], $0x2700, s29, $0x10   }
0x6c: {  	p1 =	sne.s32 s2, s17;
	_ =	swait.ge [sflag:s20], $0x2700  }
0x6d: {  	s31 =	simm.s32 @!p0 $0x80;
	s30 =	simm.s32 @!p0 $0x100;
	[sflag:s20] =	ssyncset.done $0x0  }
0x6e: {  	s21 =	sshrl.u32 @!p0 s11, $0x3;
	s29 =	simm.s32 @!p0 $0x8;
	[sflag:s20] =	ssyncadd.s32 $0xFFFFD900  }
0x6f: {  	[hbm:s16@s30], [sflag:s1] =	dma.strided @!p0 [spmem:s21@s31], $0x100, s29, $0x10   }
.Ltmp1:
0x70: {  	_ = 	snop;
	(pc) =	sbr.rel @p1 .LBB2_1-.Ltmp1, $4  }
0x71: {  	s1 =	simm.s32 @!p0 $0x3  }
0x72: {  	_ =	swait.ge @!p0 [sflag:s1], $0x100  }
0x73: {  	[sflag:s1] =	ssyncset.done @!p0 $0x0  }
0x74: {  	[sflag:s1] =	ssyncadd.s32 @!p0 $0xFFFFFF00  }
0x75: {  	_ =	sfence.sel $0x180000  }
0x76: {  	[bflag:$0x0] =	sbarrier.arrive $0xFFFF  }
0x77: {  	_ =	strace $0x90000047  }
0x78: {  	s0 =	stileid.u32;
	[bflag:$0x2] =	sbarrier.arrive $0xFFFF  }
0x79: {  	p0 =	sne.s32 s0, $0x0;
	s0 =	rddreg [dreg:$0x5]  }
0x7a: {  	s0 =	sadd.s32 @!p0 $0x100000, s0  }
0x7b: {  	[sflag:s0] =	ssyncadd.tile.s32 @!p0 $0x1;
	_ =	shalt  }
.Lfunc_end2:
_tile_overlayer_lowered:
.L_overlay_start_2:
0x7c: {  	(tag) =	ssettag $0x2  }
0x7d: {  	s0 =	rddreg [dreg:$0x0];
	s2 =	stileid.u32  }
0x7e: {  	s1 =	rddreg [dreg:$0x1];
	p0 =	sne.s32 s2, $0x0  }
0x7f: {  	s3 =	rddreg [dreg:$0x2];
	[bflag:$0x3] =	sbarrier.arrive $0xFFFF;
	s2 =	simm.s32 @!p0 $0x1C03  }
0x80: {  	[timem:s3], [sflag:s2] =	dma.local @!p0 [hbm:s0], s1  }
0x81: {  	s0 =	simm.s32 @!p0 $0x3  }
0x82: {  	_ =	swait.ge @!p0 [sflag:s0], s1  }
0x83: {  	s1 =	ssub.s32 @!p0 $0x0, s1;
	[sflag:s0] =	ssyncset.done @!p0 $0x0  }
0x84: {  	[sflag:s0] =	ssyncadd.s32 @!p0 s1  }
0x85: {  	[bflag:$0x3] =	sbarrier.arrive $0xFFFF  }
0x86: {  	_ =	shalt  }

</sc_bundles>
